<compile_context>
chip_gen: v7x
topology: tpu7x:2x2x1
jax: 0.10.2.dev20260603
libtpu: 0.0.44.dev20260713+nightly
codegen_flags: <defaults>
</compile_context>

<pallas_src>
import functools

import jax
import jax.numpy as jnp
from jax import lax
from jax.experimental import pallas as pl
from jax.experimental.pallas import tpu as pltpu
from jax.experimental.pallas import tpu_sc as plsc

CAT = 100000
LANES = 128
ROWS = 784
PAD = ROWS * LANES
B = 16384
F = 26
N = B * F
EMB = 32
NW = 32
SCL = 16


def _distances_kernel(s_ref, o_ref):
    s = s_ref[...]
    m = jnp.max(s)
    e = jnp.exp(s - m)
    total = jnp.sum(e)
    lane = lax.broadcasted_iota(jnp.int32, (ROWS, LANES), 1)
    x = e
    for k in (1, 2, 4, 8, 16, 32, 64):
        x = x + jnp.where(lane >= k, pltpu.roll(x, k, axis=1), 0.0)
    r = x[:, LANES - 1:LANES]
    i0 = lax.broadcasted_iota(jnp.int32, (ROWS, ROWS), 0)
    i1 = lax.broadcasted_iota(jnp.int32, (ROWS, ROWS), 1)
    lmat = (i1 < i0).astype(jnp.float32)
    offs = lax.dot_general(lmat, r, (((1,), (0,)), ((), ())),
                           preferred_element_type=jnp.float32)
    table = (offs + x - e) / total
    blo = lax.bitcast_convert_type(table[:ROWS // 2], jnp.int32)
    bhi = lax.bitcast_convert_type(table[ROWS // 2:], jnp.int32)
    blo = ((blo + 0x8000) >> 16) & 0xFFFF
    bhi = (bhi + 0x8000) & ~0xFFFF
    o_ref[...] = bhi | blo


HALF = PAD // 2
NSTG = 8
STG = HALF // NSTG


def _make_sc_gather_body(idx_base, chunk):
    def body(table_hbm, idx_hbm, out_hbm, table_v, idx_v, d_v, sem, isem):
        wid = lax.axis_index("s") * 2 + lax.axis_index("c")
        base = idx_base + wid * chunk
        icp = pltpu.async_copy(idx_hbm.at[pl.ds(base, chunk)], idx_v, isem)
        cps = []
        for k in range(NSTG):
            r = (wid + k) % NSTG
            cps.append(pltpu.async_copy(table_hbm.at[pl.ds(r * STG, STG)],
                                        table_v.at[pl.ds(r * STG, STG)], sem))
        for cp in cps:
            cp.wait()
        icp.wait()

        @pl.loop(0, chunk, step=8 * SCL)
        def _(i):
            for j in range(8):
                off = i + j * SCL
                iv = idx_v[pl.ds(off, SCL)]
                hi = iv >= HALF
                jv = jnp.where(hi, iv - HALF, iv)
                word = plsc.load_gather(table_v, [jv])
                bits = jnp.where(hi, word & ~0xFFFF, word << 16)
                d_v[pl.ds(off, SCL)] = lax.bitcast_convert_type(bits, jnp.float32)

        pltpu.sync_copy(d_v, out_hbm.at[pl.ds(wid * chunk, chunk)])

    return body


@functools.cache
def _sc_gather(idx_base, count):
    chunk = count // NW
    mesh = plsc.VectorSubcoreMesh(core_axis_name="c", subcore_axis_name="s")
    cp = pltpu.CompilerParams()
    if "needs_layout_passes" in pltpu.CompilerParams.__dataclass_fields__:
        import dataclasses
        cp = dataclasses.replace(cp, needs_layout_passes=False)
    return pl.kernel(
        _make_sc_gather_body(idx_base, chunk),
        out_type=jax.ShapeDtypeStruct((count,), jnp.float32),
        mesh=mesh,
        compiler_params=cp,
        scratch_types=[
            pltpu.VMEM((HALF,), jnp.int32),
            pltpu.VMEM((chunk,), jnp.int32),
            pltpu.VMEM((chunk,), jnp.float32),
            pltpu.SemaphoreType.DMA,
            pltpu.SemaphoreType.DMA,
        ],
    )


BLK = B


def _expand_kernel(w_ref, b_ref, d_ref, o_ref):
    dd = d_ref[...]
    o_ref[...] = w_ref[...] * dd + b_ref[...]


def kernel(x, distance_scores, weight, bias):
    xt_flat = jnp.transpose(x).reshape(-1).astype(jnp.int32)
    s_pad = jnp.pad(distance_scores.astype(jnp.float32),
                    (0, PAD - (CAT - 1)), constant_values=-1e30)
    table2d = pl.pallas_call(
        _distances_kernel,
        out_shape=jax.ShapeDtypeStruct((ROWS // 2, LANES), jnp.int32),
    )(s_pad.reshape(ROWS, LANES))
    table = table2d.reshape(HALF)
    dt = _sc_gather(0, N)(table, xt_flat)
    w3 = weight.astype(jnp.float32).reshape(1, EMB, 1)
    b3 = bias.astype(jnp.float32).reshape(1, EMB, 1)
    out3 = pl.pallas_call(
        _expand_kernel,
        grid=(F // 2,),
        in_specs=[
            pl.BlockSpec((1, EMB, 1), lambda f: (0, 0, 0)),
            pl.BlockSpec((1, EMB, 1), lambda f: (0, 0, 0)),
            pl.BlockSpec((2, 1, BLK), lambda f: (f, 0, 0)),
        ],
        out_specs=pl.BlockSpec((2, EMB, BLK), lambda f: (f, 0, 0)),
        out_shape=jax.ShapeDtypeStruct((F, EMB, B), jnp.float32),
    )(w3, b3, dt.reshape(F, 1, B))
    return jnp.transpose(out3, (2, 0, 1))

# --- scband reference (transcript-rebuilt; emitter-appended) ---
"""Pipeline reference for scband-ordinal-embedding-20899310862477 (READ-ONLY COPY).

The authoritative reference and input builder live on the scoring server;
editing this copy changes nothing except your own understanding.
"""

import jax, jax.numpy as jnp
import numpy as np

CATEGORY_COUNT = 100000
EMBED_DIM = 32
BATCH = 16384
FIELDS = 26


def setup_inputs(seed: int = 0) -> dict:
    key = jax.random.key(seed)
    k1, k2, k3, k4 = jax.random.split(key, 4)
    x = jax.random.randint(k1, (BATCH, FIELDS), 0, CATEGORY_COUNT, dtype=jnp.int64 if jax.config.jax_enable_x64 else jnp.int32)
    distance_scores = jax.random.normal(k2, (CATEGORY_COUNT - 1,), dtype=jnp.float32)
    weight = jax.random.normal(k3, (EMBED_DIM,), dtype=jnp.float32)
    bias = jax.random.normal(k4, (EMBED_DIM,), dtype=jnp.float32)
    return {"x": x, "distance_scores": distance_scores, "weight": weight, "bias": bias}


def reference(x, distance_scores, weight, bias):
    # distances = cumsum(softmax(scores)), prepend 0 -> length category_count
    distances = jnp.cumsum(jax.nn.softmax(distance_scores, axis=0), axis=0)
    distances = jnp.concatenate([jnp.zeros((1,), dtype=distances.dtype), distances], axis=0)
    # gather per-index scalar distance
    distance = jnp.take(distances, x.reshape(-1), axis=0)
    # outer product with weight, plus bias
    embedded = bias[None, :] + distance[:, None] * weight[None, :]
    embedded = embedded.reshape(x.shape + (-1,))
    return embedded

if __name__ == "__main__":
    import jax
    _d = setup_inputs()
    print(jax.jit(kernel)(*tuple(_d.values())))

</pallas_src>

<mosaic_0001>
#map = affine_map<(d0, d1) -> (0)>
module attributes {stable_mosaic.version = 14 : i64} {
  func.func @body(%arg0: i32, %arg1: i32, %arg2: memref<50176xi32, #tpu.memory_space<hbm>>, %arg3: memref<425984xi32, #tpu.memory_space<hbm>>, %arg4: memref<425984xf32, #tpu.memory_space<hbm>>, %arg5: memref<50176xi32, #tpu.memory_space<vmem>>, %arg6: memref<13312xi32, #tpu.memory_space<vmem>>, %arg7: memref<13312xf32, #tpu.memory_space<vmem>>, %arg8: memref<!tpu.dma_semaphore, #tpu.memory_space<semaphore_mem>>, %arg9: memref<!tpu.dma_semaphore, #tpu.memory_space<semaphore_mem>>) attributes {dimension_semantics = [#tpu.dimension_semantics<core_parallel>, #tpu.dimension_semantics<subcore_parallel>], iteration_bounds = array<i64: 2, 16>, scalar_prefetch = 0 : i64, scratch_operands = 5 : i64, tpu.core_type = #tpu.core_type<sc_vector_subcore>, window_params = [{transform_indices = #map}, {transform_indices = #map}, {transform_indices = #map}]} {
    %mul3A = arith.constant 2 : i32
    %mul3A_0 = arith.muli %arg1, %mul3A : i32
    %add3A = arith.addi %mul3A_0, %arg0 : i32
    %mul3A_1 = arith.constant 13312 : i32
    %mul3A_2 = arith.muli %add3A, %mul3A_1 : i32
    %add3A_3 = arith.constant 0 : i32
    %add3A_4 = arith.addi %add3A_3, %mul3A_2 : i32
    %dma_start3A = tpu.memref_slice %arg3[%add3A_4] : memref<425984xi32, #tpu.memory_space<hbm>> -> memref<13312xi32, #tpu.memory_space<hbm>>
    %dma_start3A_5 = tpu.memref_slice %arg3[%add3A_4] : memref<425984xi32, #tpu.memory_space<hbm>> -> memref<13312xi32, #tpu.memory_space<hbm>>
    tpu.enqueue_dma source(%dma_start3A_5 : memref<13312xi32, #tpu.memory_space<hbm>>) target(%arg6 : memref<13312xi32, #tpu.memory_space<vmem>>) target_semaphore(%arg9 : memref<!tpu.dma_semaphore, #tpu.memory_space<semaphore_mem>>)
    %add3A_6 = arith.constant 0 : i32
    %add3A_7 = arith.addi %add3A, %add3A_6 : i32
    %jit3A = arith.constant 8 : i32
    %eq3A = arith.constant 0 : i32
    %eq3A_8 = arith.cmpi eq, %jit3A, %eq3A : i32
    %jit3A_9 = arith.constant 1 : i32
    %select_n3A = arith.select %eq3A_8, %jit3A_9, %jit3A : i32
    %rem3A = arith.remsi %add3A_7, %select_n3A : i32
    %ne3A = arith.constant 0 : i32
    %ne3A_10 = arith.cmpi ne, %rem3A, %ne3A : i32
    %lt3A = arith.constant 0 : i32
    %lt3A_11 = arith.cmpi slt, %rem3A, %lt3A : i32
    %lt3A_12 = arith.constant 0 : i32
    %lt3A_13 = arith.cmpi slt, %select_n3A, %lt3A_12 : i32
    %ne3A_14 = arith.xori %lt3A_11, %lt3A_13 : i1
    %and3A = arith.andi %ne3A_14, %ne3A_10 : i1
    %add3A_15 = arith.addi %rem3A, %select_n3A : i32
    %select_n3A_16 = arith.select %and3A, %add3A_15, %rem3A : i32
    %mul3A_17 = arith.constant 6272 : i32
    %mul3A_18 = arith.muli %select_n3A_16, %mul3A_17 : i32
    %mul3A_19 = arith.constant 6272 : i32
    %mul3A_20 = arith.muli %select_n3A_16, %mul3A_19 : i32
    %dma_start3A_21 = tpu.memref_slice %arg5[%mul3A_20] : memref<50176xi32, #tpu.memory_space<vmem>> -> memref<6272xi32, #tpu.memory_space<vmem>>
    %dma_start3A_22 = tpu.memref_slice %arg2[%mul3A_18] : memref<50176xi32, #tpu.memory_space<hbm>> -> memref<6272xi32, #tpu.memory_space<hbm>>
    %dma_start3A_23 = tpu.memref_slice %arg5[%mul3A_20] : memref<50176xi32, #tpu.memory_space<vmem>> -> memref<6272xi32, #tpu.memory_space<vmem>>
    %dma_start3A_24 = tpu.memref_slice %arg2[%mul3A_18] : memref<50176xi32, #tpu.memory_space<hbm>> -> memref<6272xi32, #tpu.memory_space<hbm>>
    tpu.enqueue_dma source(%dma_start3A_24 : memref<6272xi32, #tpu.memory_space<hbm>>) target(%dma_start3A_23 : memref<6272xi32, #tpu.memory_space<vmem>>) target_semaphore(%arg8 : memref<!tpu.dma_semaphore, #tpu.memory_space<semaphore_mem>>)
    %add3A_25 = arith.constant 1 : i32
    %add3A_26 = arith.addi %add3A, %add3A_25 : i32
    %jit3A_27 = arith.constant 8 : i32
    %eq3A_28 = arith.constant 0 : i32
    %eq3A_29 = arith.cmpi eq, %jit3A_27, %eq3A_28 : i32
    %jit3A_30 = arith.constant 1 : i32
    %select_n3A_31 = arith.select %eq3A_29, %jit3A_30, %jit3A_27 : i32
    %rem3A_32 = arith.remsi %add3A_26, %select_n3A_31 : i32
    %ne3A_33 = arith.constant 0 : i32
    %ne3A_34 = arith.cmpi ne, %rem3A_32, %ne3A_33 : i32
    %lt3A_35 = arith.constant 0 : i32
    %lt3A_36 = arith.cmpi slt, %rem3A_32, %lt3A_35 : i32
    %lt3A_37 = arith.constant 0 : i32
    %lt3A_38 = arith.cmpi slt, %select_n3A_31, %lt3A_37 : i32
    %ne3A_39 = arith.xori %lt3A_36, %lt3A_38 : i1
    %and3A_40 = arith.andi %ne3A_39, %ne3A_34 : i1
    %add3A_41 = arith.addi %rem3A_32, %select_n3A_31 : i32
    %select_n3A_42 = arith.select %and3A_40, %add3A_41, %rem3A_32 : i32
    %mul3A_43 = arith.constant 6272 : i32
    %mul3A_44 = arith.muli %select_n3A_42, %mul3A_43 : i32
    %mul3A_45 = arith.constant 6272 : i32
    %mul3A_46 = arith.muli %select_n3A_42, %mul3A_45 : i32
    %dma_start3A_47 = tpu.memref_slice %arg5[%mul3A_46] : memref<50176xi32, #tpu.memory_space<vmem>> -> memref<6272xi32, #tpu.memory_space<vmem>>
    %dma_start3A_48 = tpu.memref_slice %arg2[%mul3A_44] : memref<50176xi32, #tpu.memory_space<hbm>> -> memref<6272xi32, #tpu.memory_space<hbm>>
    %dma_start3A_49 = tpu.memref_slice %arg5[%mul3A_46] : memref<50176xi32, #tpu.memory_space<vmem>> -> memref<6272xi32, #tpu.memory_space<vmem>>
    %dma_start3A_50 = tpu.memref_slice %arg2[%mul3A_44] : memref<50176xi32, #tpu.memory_space<hbm>> -> memref<6272xi32, #tpu.memory_space<hbm>>
    tpu.enqueue_dma source(%dma_start3A_50 : memref<6272xi32, #tpu.memory_space<hbm>>) target(%dma_start3A_49 : memref<6272xi32, #tpu.memory_space<vmem>>) target_semaphore(%arg8 : memref<!tpu.dma_semaphore, #tpu.memory_space<semaphore_mem>>)
    %add3A_51 = arith.constant 2 : i32
    %add3A_52 = arith.addi %add3A, %add3A_51 : i32
    %jit3A_53 = arith.constant 8 : i32
    %eq3A_54 = arith.constant 0 : i32
    %eq3A_55 = arith.cmpi eq, %jit3A_53, %eq3A_54 : i32
    %jit3A_56 = arith.constant 1 : i32
    %select_n3A_57 = arith.select %eq3A_55, %jit3A_56, %jit3A_53 : i32
    %rem3A_58 = arith.remsi %add3A_52, %select_n3A_57 : i32
    %ne3A_59 = arith.constant 0 : i32
    %ne3A_60 = arith.cmpi ne, %rem3A_58, %ne3A_59 : i32
    %lt3A_61 = arith.constant 0 : i32
    %lt3A_62 = arith.cmpi slt, %rem3A_58, %lt3A_61 : i32
    %lt3A_63 = arith.constant 0 : i32
    %lt3A_64 = arith.cmpi slt, %select_n3A_57, %lt3A_63 : i32
    %ne3A_65 = arith.xori %lt3A_62, %lt3A_64 : i1
    %and3A_66 = arith.andi %ne3A_65, %ne3A_60 : i1
    %add3A_67 = arith.addi %rem3A_58, %select_n3A_57 : i32
    %select_n3A_68 = arith.select %and3A_66, %add3A_67, %rem3A_58 : i32
    %mul3A_69 = arith.constant 6272 : i32
    %mul3A_70 = arith.muli %select_n3A_68, %mul3A_69 : i32
    %mul3A_71 = arith.constant 6272 : i32
    %mul3A_72 = arith.muli %select_n3A_68, %mul3A_71 : i32
    %dma_start3A_73 = tpu.memref_slice %arg5[%mul3A_72] : memref<50176xi32, #tpu.memory_space<vmem>> -> memref<6272xi32, #tpu.memory_space<vmem>>
    %dma_start3A_74 = tpu.memref_slice %arg2[%mul3A_70] : memref<50176xi32, #tpu.memory_space<hbm>> -> memref<6272xi32, #tpu.memory_space<hbm>>
    %dma_start3A_75 = tpu.memref_slice %arg5[%mul3A_72] : memref<50176xi32, #tpu.memory_space<vmem>> -> memref<6272xi32, #tpu.memory_space<vmem>>
    %dma_start3A_76 = tpu.memref_slice %arg2[%mul3A_70] : memref<50176xi32, #tpu.memory_space<hbm>> -> memref<6272xi32, #tpu.memory_space<hbm>>
    tpu.enqueue_dma source(%dma_start3A_76 : memref<6272xi32, #tpu.memory_space<hbm>>) target(%dma_start3A_75 : memref<6272xi32, #tpu.memory_space<vmem>>) target_semaphore(%arg8 : memref<!tpu.dma_semaphore, #tpu.memory_space<semaphore_mem>>)
    %add3A_77 = arith.constant 3 : i32
    %add3A_78 = arith.addi %add3A, %add3A_77 : i32
    %jit3A_79 = arith.constant 8 : i32
    %eq3A_80 = arith.constant 0 : i32
    %eq3A_81 = arith.cmpi eq, %jit3A_79, %eq3A_80 : i32
    %jit3A_82 = arith.constant 1 : i32
    %select_n3A_83 = arith.select %eq3A_81, %jit3A_82, %jit3A_79 : i32
    %rem3A_84 = arith.remsi %add3A_78, %select_n3A_83 : i32
    %ne3A_85 = arith.constant 0 : i32
    %ne3A_86 = arith.cmpi ne, %rem3A_84, %ne3A_85 : i32
    %lt3A_87 = arith.constant 0 : i32
    %lt3A_88 = arith.cmpi slt, %rem3A_84, %lt3A_87 : i32
    %lt3A_89 = arith.constant 0 : i32
    %lt3A_90 = arith.cmpi slt, %select_n3A_83, %lt3A_89 : i32
    %ne3A_91 = arith.xori %lt3A_88, %lt3A_90 : i1
    %and3A_92 = arith.andi %ne3A_91, %ne3A_86 : i1
    %add3A_93 = arith.addi %rem3A_84, %select_n3A_83 : i32
    %select_n3A_94 = arith.select %and3A_92, %add3A_93, %rem3A_84 : i32
    %mul3A_95 = arith.constant 6272 : i32
    %mul3A_96 = arith.muli %select_n3A_94, %mul3A_95 : i32
    %mul3A_97 = arith.constant 6272 : i32
    %mul3A_98 = arith.muli %select_n3A_94, %mul3A_97 : i32
    %dma_start3A_99 = tpu.memref_slice %arg5[%mul3A_98] : memref<50176xi32, #tpu.memory_space<vmem>> -> memref<6272xi32, #tpu.memory_space<vmem>>
    %dma_start3A_100 = tpu.memref_slice %arg2[%mul3A_96] : memref<50176xi32, #tpu.memory_space<hbm>> -> memref<6272xi32, #tpu.memory_space<hbm>>
    %dma_start3A_101 = tpu.memref_slice %arg5[%mul3A_98] : memref<50176xi32, #tpu.memory_space<vmem>> -> memref<6272xi32, #tpu.memory_space<vmem>>
    %dma_start3A_102 = tpu.memref_slice %arg2[%mul3A_96] : memref<50176xi32, #tpu.memory_space<hbm>> -> memref<6272xi32, #tpu.memory_space<hbm>>
    tpu.enqueue_dma source(%dma_start3A_102 : memref<6272xi32, #tpu.memory_space<hbm>>) target(%dma_start3A_101 : memref<6272xi32, #tpu.memory_space<vmem>>) target_semaphore(%arg8 : memref<!tpu.dma_semaphore, #tpu.memory_space<semaphore_mem>>)
    %add3A_103 = arith.constant 4 : i32
    %add3A_104 = arith.addi %add3A, %add3A_103 : i32
    %jit3A_105 = arith.constant 8 : i32
    %eq3A_106 = arith.constant 0 : i32
    %eq3A_107 = arith.cmpi eq, %jit3A_105, %eq3A_106 : i32
    %jit3A_108 = arith.constant 1 : i32
    %select_n3A_109 = arith.select %eq3A_107, %jit3A_108, %jit3A_105 : i32
    %rem3A_110 = arith.remsi %add3A_104, %select_n3A_109 : i32
    %ne3A_111 = arith.constant 0 : i32
    %ne3A_112 = arith.cmpi ne, %rem3A_110, %ne3A_111 : i32
    %lt3A_113 = arith.constant 0 : i32
    %lt3A_114 = arith.cmpi slt, %rem3A_110, %lt3A_113 : i32
    %lt3A_115 = arith.constant 0 : i32
    %lt3A_116 = arith.cmpi slt, %select_n3A_109, %lt3A_115 : i32
    %ne3A_117 = arith.xori %lt3A_114, %lt3A_116 : i1
    %and3A_118 = arith.andi %ne3A_117, %ne3A_112 : i1
    %add3A_119 = arith.addi %rem3A_110, %select_n3A_109 : i32
    %select_n3A_120 = arith.select %and3A_118, %add3A_119, %rem3A_110 : i32
    %mul3A_121 = arith.constant 6272 : i32
    %mul3A_122 = arith.muli %select_n3A_120, %mul3A_121 : i32
    %mul3A_123 = arith.constant 6272 : i32
    %mul3A_124 = arith.muli %select_n3A_120, %mul3A_123 : i32
    %dma_start3A_125 = tpu.memref_slice %arg5[%mul3A_124] : memref<50176xi32, #tpu.memory_space<vmem>> -> memref<6272xi32, #tpu.memory_space<vmem>>
    %dma_start3A_126 = tpu.memref_slice %arg2[%mul3A_122] : memref<50176xi32, #tpu.memory_space<hbm>> -> memref<6272xi32, #tpu.memory_space<hbm>>
    %dma_start3A_127 = tpu.memref_slice %arg5[%mul3A_124] : memref<50176xi32, #tpu.memory_space<vmem>> -> memref<6272xi32, #tpu.memory_space<vmem>>
    %dma_start3A_128 = tpu.memref_slice %arg2[%mul3A_122] : memref<50176xi32, #tpu.memory_space<hbm>> -> memref<6272xi32, #tpu.memory_space<hbm>>
    tpu.enqueue_dma source(%dma_start3A_128 : memref<6272xi32, #tpu.memory_space<hbm>>) target(%dma_start3A_127 : memref<6272xi32, #tpu.memory_space<vmem>>) target_semaphore(%arg8 : memref<!tpu.dma_semaphore, #tpu.memory_space<semaphore_mem>>)
    %add3A_129 = arith.constant 5 : i32
    %add3A_130 = arith.addi %add3A, %add3A_129 : i32
    %jit3A_131 = arith.constant 8 : i32
    %eq3A_132 = arith.constant 0 : i32
    %eq3A_133 = arith.cmpi eq, %jit3A_131, %eq3A_132 : i32
    %jit3A_134 = arith.constant 1 : i32
    %select_n3A_135 = arith.select %eq3A_133, %jit3A_134, %jit3A_131 : i32
    %rem3A_136 = arith.remsi %add3A_130, %select_n3A_135 : i32
    %ne3A_137 = arith.constant 0 : i32
    %ne3A_138 = arith.cmpi ne, %rem3A_136, %ne3A_137 : i32
    %lt3A_139 = arith.constant 0 : i32
    %lt3A_140 = arith.cmpi slt, %rem3A_136, %lt3A_139 : i32
    %lt3A_141 = arith.constant 0 : i32
    %lt3A_142 = arith.cmpi slt, %select_n3A_135, %lt3A_141 : i32
    %ne3A_143 = arith.xori %lt3A_140, %lt3A_142 : i1
    %and3A_144 = arith.andi %ne3A_143, %ne3A_138 : i1
    %add3A_145 = arith.addi %rem3A_136, %select_n3A_135 : i32
    %select_n3A_146 = arith.select %and3A_144, %add3A_145, %rem3A_136 : i32
    %mul3A_147 = arith.constant 6272 : i32
    %mul3A_148 = arith.muli %select_n3A_146, %mul3A_147 : i32
    %mul3A_149 = arith.constant 6272 : i32
    %mul3A_150 = arith.muli %select_n3A_146, %mul3A_149 : i32
    %dma_start3A_151 = tpu.memref_slice %arg5[%mul3A_150] : memref<50176xi32, #tpu.memory_space<vmem>> -> memref<6272xi32, #tpu.memory_space<vmem>>
    %dma_start3A_152 = tpu.memref_slice %arg2[%mul3A_148] : memref<50176xi32, #tpu.memory_space<hbm>> -> memref<6272xi32, #tpu.memory_space<hbm>>
    %dma_start3A_153 = tpu.memref_slice %arg5[%mul3A_150] : memref<50176xi32, #tpu.memory_space<vmem>> -> memref<6272xi32, #tpu.memory_space<vmem>>
    %dma_start3A_154 = tpu.memref_slice %arg2[%mul3A_148] : memref<50176xi32, #tpu.memory_space<hbm>> -> memref<6272xi32, #tpu.memory_space<hbm>>
    tpu.enqueue_dma source(%dma_start3A_154 : memref<6272xi32, #tpu.memory_space<hbm>>) target(%dma_start3A_153 : memref<6272xi32, #tpu.memory_space<vmem>>) target_semaphore(%arg8 : memref<!tpu.dma_semaphore, #tpu.memory_space<semaphore_mem>>)
    %add3A_155 = arith.constant 6 : i32
    %add3A_156 = arith.addi %add3A, %add3A_155 : i32
    %jit3A_157 = arith.constant 8 : i32
    %eq3A_158 = arith.constant 0 : i32
    %eq3A_159 = arith.cmpi eq, %jit3A_157, %eq3A_158 : i32
    %jit3A_160 = arith.constant 1 : i32
    %select_n3A_161 = arith.select %eq3A_159, %jit3A_160, %jit3A_157 : i32
    %rem3A_162 = arith.remsi %add3A_156, %select_n3A_161 : i32
    %ne3A_163 = arith.constant 0 : i32
    %ne3A_164 = arith.cmpi ne, %rem3A_162, %ne3A_163 : i32
    %lt3A_165 = arith.constant 0 : i32
    %lt3A_166 = arith.cmpi slt, %rem3A_162, %lt3A_165 : i32
    %lt3A_167 = arith.constant 0 : i32
    %lt3A_168 = arith.cmpi slt, %select_n3A_161, %lt3A_167 : i32
    %ne3A_169 = arith.xori %lt3A_166, %lt3A_168 : i1
    %and3A_170 = arith.andi %ne3A_169, %ne3A_164 : i1
    %add3A_171 = arith.addi %rem3A_162, %select_n3A_161 : i32
    %select_n3A_172 = arith.select %and3A_170, %add3A_171, %rem3A_162 : i32
    %mul3A_173 = arith.constant 6272 : i32
    %mul3A_174 = arith.muli %select_n3A_172, %mul3A_173 : i32
    %mul3A_175 = arith.constant 6272 : i32
    %mul3A_176 = arith.muli %select_n3A_172, %mul3A_175 : i32
    %dma_start3A_177 = tpu.memref_slice %arg5[%mul3A_176] : memref<50176xi32, #tpu.memory_space<vmem>> -> memref<6272xi32, #tpu.memory_space<vmem>>
    %dma_start3A_178 = tpu.memref_slice %arg2[%mul3A_174] : memref<50176xi32, #tpu.memory_space<hbm>> -> memref<6272xi32, #tpu.memory_space<hbm>>
    %dma_start3A_179 = tpu.memref_slice %arg5[%mul3A_176] : memref<50176xi32, #tpu.memory_space<vmem>> -> memref<6272xi32, #tpu.memory_space<vmem>>
    %dma_start3A_180 = tpu.memref_slice %arg2[%mul3A_174] : memref<50176xi32, #tpu.memory_space<hbm>> -> memref<6272xi32, #tpu.memory_space<hbm>>
    tpu.enqueue_dma source(%dma_start3A_180 : memref<6272xi32, #tpu.memory_space<hbm>>) target(%dma_start3A_179 : memref<6272xi32, #tpu.memory_space<vmem>>) target_semaphore(%arg8 : memref<!tpu.dma_semaphore, #tpu.memory_space<semaphore_mem>>)
    %add3A_181 = arith.constant 7 : i32
    %add3A_182 = arith.addi %add3A, %add3A_181 : i32
    %jit3A_183 = arith.constant 8 : i32
    %eq3A_184 = arith.constant 0 : i32
    %eq3A_185 = arith.cmpi eq, %jit3A_183, %eq3A_184 : i32
    %jit3A_186 = arith.constant 1 : i32
    %select_n3A_187 = arith.select %eq3A_185, %jit3A_186, %jit3A_183 : i32
    %rem3A_188 = arith.remsi %add3A_182, %select_n3A_187 : i32
    %ne3A_189 = arith.constant 0 : i32
    %ne3A_190 = arith.cmpi ne, %rem3A_188, %ne3A_189 : i32
    %lt3A_191 = arith.constant 0 : i32
    %lt3A_192 = arith.cmpi slt, %rem3A_188, %lt3A_191 : i32
    %lt3A_193 = arith.constant 0 : i32
    %lt3A_194 = arith.cmpi slt, %select_n3A_187, %lt3A_193 : i32
    %ne3A_195 = arith.xori %lt3A_192, %lt3A_194 : i1
    %and3A_196 = arith.andi %ne3A_195, %ne3A_190 : i1
    %add3A_197 = arith.addi %rem3A_188, %select_n3A_187 : i32
    %select_n3A_198 = arith.select %and3A_196, %add3A_197, %rem3A_188 : i32
    %mul3A_199 = arith.constant 6272 : i32
    %mul3A_200 = arith.muli %select_n3A_198, %mul3A_199 : i32
    %mul3A_201 = arith.constant 6272 : i32
    %mul3A_202 = arith.muli %select_n3A_198, %mul3A_201 : i32
    %dma_start3A_203 = tpu.memref_slice %arg5[%mul3A_202] : memref<50176xi32, #tpu.memory_space<vmem>> -> memref<6272xi32, #tpu.memory_space<vmem>>
    %dma_start3A_204 = tpu.memref_slice %arg2[%mul3A_200] : memref<50176xi32, #tpu.memory_space<hbm>> -> memref<6272xi32, #tpu.memory_space<hbm>>
    %dma_start3A_205 = tpu.memref_slice %arg5[%mul3A_202] : memref<50176xi32, #tpu.memory_space<vmem>> -> memref<6272xi32, #tpu.memory_space<vmem>>
    %dma_start3A_206 = tpu.memref_slice %arg2[%mul3A_200] : memref<50176xi32, #tpu.memory_space<hbm>> -> memref<6272xi32, #tpu.memory_space<hbm>>
    tpu.enqueue_dma source(%dma_start3A_206 : memref<6272xi32, #tpu.memory_space<hbm>>) target(%dma_start3A_205 : memref<6272xi32, #tpu.memory_space<vmem>>) target_semaphore(%arg8 : memref<!tpu.dma_semaphore, #tpu.memory_space<semaphore_mem>>)
    %dma_wait3A = tpu.memref_slice %arg5[%mul3A_20] : memref<50176xi32, #tpu.memory_space<vmem>> -> memref<6272xi32, #tpu.memory_space<vmem>>
    %dma_wait3A_207 = tpu.memref_slice %arg2[%mul3A_18] : memref<50176xi32, #tpu.memory_space<hbm>> -> memref<6272xi32, #tpu.memory_space<hbm>>
    %dma_wait3A_208 = tpu.memref_slice %arg5[%mul3A_20] : memref<50176xi32, #tpu.memory_space<vmem>> -> memref<6272xi32, #tpu.memory_space<vmem>>
    %dma_wait3A_209 = tpu.memref_slice %arg2[%mul3A_18] : memref<50176xi32, #tpu.memory_space<hbm>> -> memref<6272xi32, #tpu.memory_space<hbm>>
    tpu.wait_dma2 semaphore(%arg8 : memref<!tpu.dma_semaphore, #tpu.memory_space<semaphore_mem>>) src(%dma_wait3A_209 : memref<6272xi32, #tpu.memory_space<hbm>>) dst(%dma_wait3A_208 : memref<6272xi32, #tpu.memory_space<vmem>>)
    %dma_wait3A_210 = tpu.memref_slice %arg5[%mul3A_46] : memref<50176xi32, #tpu.memory_space<vmem>> -> memref<6272xi32, #tpu.memory_space<vmem>>
    %dma_wait3A_211 = tpu.memref_slice %arg2[%mul3A_44] : memref<50176xi32, #tpu.memory_space<hbm>> -> memref<6272xi32, #tpu.memory_space<hbm>>
    %dma_wait3A_212 = tpu.memref_slice %arg5[%mul3A_46] : memref<50176xi32, #tpu.memory_space<vmem>> -> memref<6272xi32, #tpu.memory_space<vmem>>
    %dma_wait3A_213 = tpu.memref_slice %arg2[%mul3A_44] : memref<50176xi32, #tpu.memory_space<hbm>> -> memref<6272xi32, #tpu.memory_space<hbm>>
    tpu.wait_dma2 semaphore(%arg8 : memref<!tpu.dma_semaphore, #tpu.memory_space<semaphore_mem>>) src(%dma_wait3A_213 : memref<6272xi32, #tpu.memory_space<hbm>>) dst(%dma_wait3A_212 : memref<6272xi32, #tpu.memory_space<vmem>>)
    %dma_wait3A_214 = tpu.memref_slice %arg5[%mul3A_72] : memref<50176xi32, #tpu.memory_space<vmem>> -> memref<6272xi32, #tpu.memory_space<vmem>>
    %dma_wait3A_215 = tpu.memref_slice %arg2[%mul3A_70] : memref<50176xi32, #tpu.memory_space<hbm>> -> memref<6272xi32, #tpu.memory_space<hbm>>
    %dma_wait3A_216 = tpu.memref_slice %arg5[%mul3A_72] : memref<50176xi32, #tpu.memory_space<vmem>> -> memref<6272xi32, #tpu.memory_space<vmem>>
    %dma_wait3A_217 = tpu.memref_slice %arg2[%mul3A_70] : memref<50176xi32, #tpu.memory_space<hbm>> -> memref<6272xi32, #tpu.memory_space<hbm>>
    tpu.wait_dma2 semaphore(%arg8 : memref<!tpu.dma_semaphore, #tpu.memory_space<semaphore_mem>>) src(%dma_wait3A_217 : memref<6272xi32, #tpu.memory_space<hbm>>) dst(%dma_wait3A_216 : memref<6272xi32, #tpu.memory_space<vmem>>)
    %dma_wait3A_218 = tpu.memref_slice %arg5[%mul3A_98] : memref<50176xi32, #tpu.memory_space<vmem>> -> memref<6272xi32, #tpu.memory_space<vmem>>
    %dma_wait3A_219 = tpu.memref_slice %arg2[%mul3A_96] : memref<50176xi32, #tpu.memory_space<hbm>> -> memref<6272xi32, #tpu.memory_space<hbm>>
    %dma_wait3A_220 = tpu.memref_slice %arg5[%mul3A_98] : memref<50176xi32, #tpu.memory_space<vmem>> -> memref<6272xi32, #tpu.memory_space<vmem>>
    %dma_wait3A_221 = tpu.memref_slice %arg2[%mul3A_96] : memref<50176xi32, #tpu.memory_space<hbm>> -> memref<6272xi32, #tpu.memory_space<hbm>>
    tpu.wait_dma2 semaphore(%arg8 : memref<!tpu.dma_semaphore, #tpu.memory_space<semaphore_mem>>) src(%dma_wait3A_221 : memref<6272xi32, #tpu.memory_space<hbm>>) dst(%dma_wait3A_220 : memref<6272xi32, #tpu.memory_space<vmem>>)
    %dma_wait3A_222 = tpu.memref_slice %arg5[%mul3A_124] : memref<50176xi32, #tpu.memory_space<vmem>> -> memref<6272xi32, #tpu.memory_space<vmem>>
    %dma_wait3A_223 = tpu.memref_slice %arg2[%mul3A_122] : memref<50176xi32, #tpu.memory_space<hbm>> -> memref<6272xi32, #tpu.memory_space<hbm>>
    %dma_wait3A_224 = tpu.memref_slice %arg5[%mul3A_124] : memref<50176xi32, #tpu.memory_space<vmem>> -> memref<6272xi32, #tpu.memory_space<vmem>>
    %dma_wait3A_225 = tpu.memref_slice %arg2[%mul3A_122] : memref<50176xi32, #tpu.memory_space<hbm>> -> memref<6272xi32, #tpu.memory_space<hbm>>
    tpu.wait_dma2 semaphore(%arg8 : memref<!tpu.dma_semaphore, #tpu.memory_space<semaphore_mem>>) src(%dma_wait3A_225 : memref<6272xi32, #tpu.memory_space<hbm>>) dst(%dma_wait3A_224 : memref<6272xi32, #tpu.memory_space<vmem>>)
    %dma_wait3A_226 = tpu.memref_slice %arg5[%mul3A_150] : memref<50176xi32, #tpu.memory_space<vmem>> -> memref<6272xi32, #tpu.memory_space<vmem>>
    %dma_wait3A_227 = tpu.memref_slice %arg2[%mul3A_148] : memref<50176xi32, #tpu.memory_space<hbm>> -> memref<6272xi32, #tpu.memory_space<hbm>>
    %dma_wait3A_228 = tpu.memref_slice %arg5[%mul3A_150] : memref<50176xi32, #tpu.memory_space<vmem>> -> memref<6272xi32, #tpu.memory_space<vmem>>
    %dma_wait3A_229 = tpu.memref_slice %arg2[%mul3A_148] : memref<50176xi32, #tpu.memory_space<hbm>> -> memref<6272xi32, #tpu.memory_space<hbm>>
    tpu.wait_dma2 semaphore(%arg8 : memref<!tpu.dma_semaphore, #tpu.memory_space<semaphore_mem>>) src(%dma_wait3A_229 : memref<6272xi32, #tpu.memory_space<hbm>>) dst(%dma_wait3A_228 : memref<6272xi32, #tpu.memory_space<vmem>>)
    %dma_wait3A_230 = tpu.memref_slice %arg5[%mul3A_176] : memref<50176xi32, #tpu.memory_space<vmem>> -> memref<6272xi32, #tpu.memory_space<vmem>>
    %dma_wait3A_231 = tpu.memref_slice %arg2[%mul3A_174] : memref<50176xi32, #tpu.memory_space<hbm>> -> memref<6272xi32, #tpu.memory_space<hbm>>
    %dma_wait3A_232 = tpu.memref_slice %arg5[%mul3A_176] : memref<50176xi32, #tpu.memory_space<vmem>> -> memref<6272xi32, #tpu.memory_space<vmem>>
    %dma_wait3A_233 = tpu.memref_slice %arg2[%mul3A_174] : memref<50176xi32, #tpu.memory_space<hbm>> -> memref<6272xi32, #tpu.memory_space<hbm>>
    tpu.wait_dma2 semaphore(%arg8 : memref<!tpu.dma_semaphore, #tpu.memory_space<semaphore_mem>>) src(%dma_wait3A_233 : memref<6272xi32, #tpu.memory_space<hbm>>) dst(%dma_wait3A_232 : memref<6272xi32, #tpu.memory_space<vmem>>)
    %dma_wait3A_234 = tpu.memref_slice %arg5[%mul3A_202] : memref<50176xi32, #tpu.memory_space<vmem>> -> memref<6272xi32, #tpu.memory_space<vmem>>
    %dma_wait3A_235 = tpu.memref_slice %arg2[%mul3A_200] : memref<50176xi32, #tpu.memory_space<hbm>> -> memref<6272xi32, #tpu.memory_space<hbm>>
    %dma_wait3A_236 = tpu.memref_slice %arg5[%mul3A_202] : memref<50176xi32, #tpu.memory_space<vmem>> -> memref<6272xi32, #tpu.memory_space<vmem>>
    %dma_wait3A_237 = tpu.memref_slice %arg2[%mul3A_200] : memref<50176xi32, #tpu.memory_space<hbm>> -> memref<6272xi32, #tpu.memory_space<hbm>>
    tpu.wait_dma2 semaphore(%arg8 : memref<!tpu.dma_semaphore, #tpu.memory_space<semaphore_mem>>) src(%dma_wait3A_237 : memref<6272xi32, #tpu.memory_space<hbm>>) dst(%dma_wait3A_236 : memref<6272xi32, #tpu.memory_space<vmem>>)
    %dma_wait3A_238 = tpu.memref_slice %arg3[%add3A_4] : memref<425984xi32, #tpu.memory_space<hbm>> -> memref<13312xi32, #tpu.memory_space<hbm>>
    %dma_wait3A_239 = tpu.memref_slice %arg3[%add3A_4] : memref<425984xi32, #tpu.memory_space<hbm>> -> memref<13312xi32, #tpu.memory_space<hbm>>
    tpu.wait_dma2 semaphore(%arg9 : memref<!tpu.dma_semaphore, #tpu.memory_space<semaphore_mem>>) src(%dma_wait3A_239 : memref<13312xi32, #tpu.memory_space<hbm>>) dst(%arg6 : memref<13312xi32, #tpu.memory_space<vmem>>)
    %scan3A = arith.constant 0 : i32
    %scan3A_240 = arith.constant 104 : i32
    %scan3A_241 = arith.addi %scan3A, %scan3A_240 : i32
    %scan3A_242 = arith.constant 1 : i32
    scf.for %scan3A_246 = %scan3A to %scan3A_241 step %scan3A_242  : i32 {
      %mul3A_247 = arith.constant 128 : i32
      %mul3A_248 = arith.muli %scan3A_246, %mul3A_247 : i32
      %add3A_249 = arith.constant 0 : i32
      %add3A_250 = arith.addi %add3A_249, %mul3A_248 : i32
      %add3A_251 = arith.constant 0 : i32
      %add3A_252 = arith.addi %add3A_250, %add3A_251 : i32
      %get3A = arith.index_cast %add3A_252 : i32 to index
      %get3A_253 = tpu.vector_load %arg6[%get3A] {strides = array<i32>} : memref<13312xi32, #tpu.memory_space<vmem>>, vector<16xi32>,
      %ge3A = arith.constant 50176 : i32
      %ge3A_254 = vector.broadcast %ge3A : i32 to vector<16xi32>
      %ge3A_255 = arith.cmpi sge, %get3A_253, %ge3A_254 : vector<16xi32>
      %sub3A = arith.constant 50176 : i32
      %sub3A_256 = vector.broadcast %sub3A : i32 to vector<16xi32>
      %sub3A_257 = arith.subi %get3A_253, %sub3A_256 : vector<16xi32>
      %select_n3A_258 = arith.select %ge3A_255, %sub3A_257, %get3A_253 : vector<16xi1>, vector<16xi32>
      %gather3A = tpu.vector_load_idx %arg5[%select_n3A_258] : memref<50176xi32, #tpu.memory_space<vmem>>[vector<16xi32>], vector<16xi32>,
      %and3A_259 = arith.constant -65536 : i32
      %and3A_260 = vector.broadcast %and3A_259 : i32 to vector<16xi32>
      %and3A_261 = arith.andi %gather3A, %and3A_260 : vector<16xi32>
      %shift_left3A = arith.constant 16 : i32
      %shift_left3A_262 = vector.broadcast %shift_left3A : i32 to vector<16xi32>
      %shift_left3A_263 = arith.shli %gather3A, %shift_left3A_262 : vector<16xi32>
      %select_n3A_264 = arith.select %ge3A_255, %and3A_261, %shift_left3A_263 : vector<16xi1>, vector<16xi32>
      %bitcast_convert_type3A = tpu.bitcast %select_n3A_264 : vector<16xi32> -> vector<16xf32>
      %swap3A = arith.index_cast %add3A_252 : i32 to index
      %swap3A_265 = tpu.vector_load %arg7[%swap3A] {strides = array<i32>} : memref<13312xf32, #tpu.memory_space<vmem>>, vector<16xf32>,
      tpu.vector_store %arg7[%swap3A], %bitcast_convert_type3A {strides = array<i32>} : memref<13312xf32, #tpu.memory_space<vmem>>, vector<16xf32>,
      %add3A_266 = arith.constant 16 : i32
      %add3A_267 = arith.addi %add3A_250, %add3A_266 : i32
      %get3A_268 = arith.index_cast %add3A_267 : i32 to index
      %get3A_269 = tpu.vector_load %arg6[%get3A_268] {strides = array<i32>} : memref<13312xi32, #tpu.memory_space<vmem>>, vector<16xi32>,
      %ge3A_270 = arith.constant 50176 : i32
      %ge3A_271 = vector.broadcast %ge3A_270 : i32 to vector<16xi32>
      %ge3A_272 = arith.cmpi sge, %get3A_269, %ge3A_271 : vector<16xi32>
      %sub3A_273 = arith.constant 50176 : i32
      %sub3A_274 = vector.broadcast %sub3A_273 : i32 to vector<16xi32>
      %sub3A_275 = arith.subi %get3A_269, %sub3A_274 : vector<16xi32>
      %select_n3A_276 = arith.select %ge3A_272, %sub3A_275, %get3A_269 : vector<16xi1>, vector<16xi32>
      %gather3A_277 = tpu.vector_load_idx %arg5[%select_n3A_276] : memref<50176xi32, #tpu.memory_space<vmem>>[vector<16xi32>], vector<16xi32>,
      %and3A_278 = arith.constant -65536 : i32
      %and3A_279 = vector.broadcast %and3A_278 : i32 to vector<16xi32>
      %and3A_280 = arith.andi %gather3A_277, %and3A_279 : vector<16xi32>
      %shift_left3A_281 = arith.constant 16 : i32
      %shift_left3A_282 = vector.broadcast %shift_left3A_281 : i32 to vector<16xi32>
      %shift_left3A_283 = arith.shli %gather3A_277, %shift_left3A_282 : vector<16xi32>
      %select_n3A_284 = arith.select %ge3A_272, %and3A_280, %shift_left3A_283 : vector<16xi1>, vector<16xi32>
      %bitcast_convert_type3A_285 = tpu.bitcast %select_n3A_284 : vector<16xi32> -> vector<16xf32>
      %swap3A_286 = arith.index_cast %add3A_267 : i32 to index
      %swap3A_287 = tpu.vector_load %arg7[%swap3A_286] {strides = array<i32>} : memref<13312xf32, #tpu.memory_space<vmem>>, vector<16xf32>,
      tpu.vector_store %arg7[%swap3A_286], %bitcast_convert_type3A_285 {strides = array<i32>} : memref<13312xf32, #tpu.memory_space<vmem>>, vector<16xf32>,
      %add3A_288 = arith.constant 32 : i32
      %add3A_289 = arith.addi %add3A_250, %add3A_288 : i32
      %get3A_290 = arith.index_cast %add3A_289 : i32 to index
      %get3A_291 = tpu.vector_load %arg6[%get3A_290] {strides = array<i32>} : memref<13312xi32, #tpu.memory_space<vmem>>, vector<16xi32>,
      %ge3A_292 = arith.constant 50176 : i32
      %ge3A_293 = vector.broadcast %ge3A_292 : i32 to vector<16xi32>
      %ge3A_294 = arith.cmpi sge, %get3A_291, %ge3A_293 : vector<16xi32>
      %sub3A_295 = arith.constant 50176 : i32
      %sub3A_296 = vector.broadcast %sub3A_295 : i32 to vector<16xi32>
      %sub3A_297 = arith.subi %get3A_291, %sub3A_296 : vector<16xi32>
      %select_n3A_298 = arith.select %ge3A_294, %sub3A_297, %get3A_291 : vector<16xi1>, vector<16xi32>
      %gather3A_299 = tpu.vector_load_idx %arg5[%select_n3A_298] : memref<50176xi32, #tpu.memory_space<vmem>>[vector<16xi32>], vector<16xi32>,
      %and3A_300 = arith.constant -65536 : i32
      %and3A_301 = vector.broadcast %and3A_300 : i32 to vector<16xi32>
      %and3A_302 = arith.andi %gather3A_299, %and3A_301 : vector<16xi32>
      %shift_left3A_303 = arith.constant 16 : i32
      %shift_left3A_304 = vector.broadcast %shift_left3A_303 : i32 to vector<16xi32>
      %shift_left3A_305 = arith.shli %gather3A_299, %shift_left3A_304 : vector<16xi32>
      %select_n3A_306 = arith.select %ge3A_294, %and3A_302, %shift_left3A_305 : vector<16xi1>, vector<16xi32>
      %bitcast_convert_type3A_307 = tpu.bitcast %select_n3A_306 : vector<16xi32> -> vector<16xf32>
      %swap3A_308 = arith.index_cast %add3A_289 : i32 to index
      %swap3A_309 = tpu.vector_load %arg7[%swap3A_308] {strides = array<i32>} : memref<13312xf32, #tpu.memory_space<vmem>>, vector<16xf32>,
      tpu.vector_store %arg7[%swap3A_308], %bitcast_convert_type3A_307 {strides = array<i32>} : memref<13312xf32, #tpu.memory_space<vmem>>, vector<16xf32>,
      %add3A_310 = arith.constant 48 : i32
      %add3A_311 = arith.addi %add3A_250, %add3A_310 : i32
      %get3A_312 = arith.index_cast %add3A_311 : i32 to index
      %get3A_313 = tpu.vector_load %arg6[%get3A_312] {strides = array<i32>} : memref<13312xi32, #tpu.memory_space<vmem>>, vector<16xi32>,
      %ge3A_314 = arith.constant 50176 : i32
      %ge3A_315 = vector.broadcast %ge3A_314 : i32 to vector<16xi32>
      %ge3A_316 = arith.cmpi sge, %get3A_313, %ge3A_315 : vector<16xi32>
      %sub3A_317 = arith.constant 50176 : i32
      %sub3A_318 = vector.broadcast %sub3A_317 : i32 to vector<16xi32>
      %sub3A_319 = arith.subi %get3A_313, %sub3A_318 : vector<16xi32>
      %select_n3A_320 = arith.select %ge3A_316, %sub3A_319, %get3A_313 : vector<16xi1>, vector<16xi32>
      %gather3A_321 = tpu.vector_load_idx %arg5[%select_n3A_320] : memref<50176xi32, #tpu.memory_space<vmem>>[vector<16xi32>], vector<16xi32>,
      %and3A_322 = arith.constant -65536 : i32
      %and3A_323 = vector.broadcast %and3A_322 : i32 to vector<16xi32>
      %and3A_324 = arith.andi %gather3A_321, %and3A_323 : vector<16xi32>
      %shift_left3A_325 = arith.constant 16 : i32
      %shift_left3A_326 = vector.broadcast %shift_left3A_325 : i32 to vector<16xi32>
      %shift_left3A_327 = arith.shli %gather3A_321, %shift_left3A_326 : vector<16xi32>
      %select_n3A_328 = arith.select %ge3A_316, %and3A_324, %shift_left3A_327 : vector<16xi1>, vector<16xi32>
      %bitcast_convert_type3A_329 = tpu.bitcast %select_n3A_328 : vector<16xi32> -> vector<16xf32>
      %swap3A_330 = arith.index_cast %add3A_311 : i32 to index
      %swap3A_331 = tpu.vector_load %arg7[%swap3A_330] {strides = array<i32>} : memref<13312xf32, #tpu.memory_space<vmem>>, vector<16xf32>,
      tpu.vector_store %arg7[%swap3A_330], %bitcast_convert_type3A_329 {strides = array<i32>} : memref<13312xf32, #tpu.memory_space<vmem>>, vector<16xf32>,
      %add3A_332 = arith.constant 64 : i32
      %add3A_333 = arith.addi %add3A_250, %add3A_332 : i32
      %get3A_334 = arith.index_cast %add3A_333 : i32 to index
      %get3A_335 = tpu.vector_load %arg6[%get3A_334] {strides = array<i32>} : memref<13312xi32, #tpu.memory_space<vmem>>, vector<16xi32>,
      %ge3A_336 = arith.constant 50176 : i32
      %ge3A_337 = vector.broadcast %ge3A_336 : i32 to vector<16xi32>
      %ge3A_338 = arith.cmpi sge, %get3A_335, %ge3A_337 : vector<16xi32>
      %sub3A_339 = arith.constant 50176 : i32
      %sub3A_340 = vector.broadcast %sub3A_339 : i32 to vector<16xi32>
      %sub3A_341 = arith.subi %get3A_335, %sub3A_340 : vector<16xi32>
      %select_n3A_342 = arith.select %ge3A_338, %sub3A_341, %get3A_335 : vector<16xi1>, vector<16xi32>
      %gather3A_343 = tpu.vector_load_idx %arg5[%select_n3A_342] : memref<50176xi32, #tpu.memory_space<vmem>>[vector<16xi32>], vector<16xi32>,
      %and3A_344 = arith.constant -65536 : i32
      %and3A_345 = vector.broadcast %and3A_344 : i32 to vector<16xi32>
      %and3A_346 = arith.andi %gather3A_343, %and3A_345 : vector<16xi32>
      %shift_left3A_347 = arith.constant 16 : i32
      %shift_left3A_348 = vector.broadcast %shift_left3A_347 : i32 to vector<16xi32>
      %shift_left3A_349 = arith.shli %gather3A_343, %shift_left3A_348 : vector<16xi32>
      %select_n3A_350 = arith.select %ge3A_338, %and3A_346, %shift_left3A_349 : vector<16xi1>, vector<16xi32>
      %bitcast_convert_type3A_351 = tpu.bitcast %select_n3A_350 : vector<16xi32> -> vector<16xf32>
      %swap3A_352 = arith.index_cast %add3A_333 : i32 to index
      %swap3A_353 = tpu.vector_load %arg7[%swap3A_352] {strides = array<i32>} : memref<13312xf32, #tpu.memory_space<vmem>>, vector<16xf32>,
      tpu.vector_store %arg7[%swap3A_352], %bitcast_convert_type3A_351 {strides = array<i32>} : memref<13312xf32, #tpu.memory_space<vmem>>, vector<16xf32>,
      %add3A_354 = arith.constant 80 : i32
      %add3A_355 = arith.addi %add3A_250, %add3A_354 : i32
      %get3A_356 = arith.index_cast %add3A_355 : i32 to index
      %get3A_357 = tpu.vector_load %arg6[%get3A_356] {strides = array<i32>} : memref<13312xi32, #tpu.memory_space<vmem>>, vector<16xi32>,
      %ge3A_358 = arith.constant 50176 : i32
      %ge3A_359 = vector.broadcast %ge3A_358 : i32 to vector<16xi32>
      %ge3A_360 = arith.cmpi sge, %get3A_357, %ge3A_359 : vector<16xi32>
      %sub3A_361 = arith.constant 50176 : i32
      %sub3A_362 = vector.broadcast %sub3A_361 : i32 to vector<16xi32>
      %sub3A_363 = arith.subi %get3A_357, %sub3A_362 : vector<16xi32>
      %select_n3A_364 = arith.select %ge3A_360, %sub3A_363, %get3A_357 : vector<16xi1>, vector<16xi32>
      %gather3A_365 = tpu.vector_load_idx %arg5[%select_n3A_364] : memref<50176xi32, #tpu.memory_space<vmem>>[vector<16xi32>], vector<16xi32>,
      %and3A_366 = arith.constant -65536 : i32
      %and3A_367 = vector.broadcast %and3A_366 : i32 to vector<16xi32>
      %and3A_368 = arith.andi %gather3A_365, %and3A_367 : vector<16xi32>
      %shift_left3A_369 = arith.constant 16 : i32
      %shift_left3A_370 = vector.broadcast %shift_left3A_369 : i32 to vector<16xi32>
      %shift_left3A_371 = arith.shli %gather3A_365, %shift_left3A_370 : vector<16xi32>
      %select_n3A_372 = arith.select %ge3A_360, %and3A_368, %shift_left3A_371 : vector<16xi1>, vector<16xi32>
      %bitcast_convert_type3A_373 = tpu.bitcast %select_n3A_372 : vector<16xi32> -> vector<16xf32>
      %swap3A_374 = arith.index_cast %add3A_355 : i32 to index
      %swap3A_375 = tpu.vector_load %arg7[%swap3A_374] {strides = array<i32>} : memref<13312xf32, #tpu.memory_space<vmem>>, vector<16xf32>,
      tpu.vector_store %arg7[%swap3A_374], %bitcast_convert_type3A_373 {strides = array<i32>} : memref<13312xf32, #tpu.memory_space<vmem>>, vector<16xf32>,
      %add3A_376 = arith.constant 96 : i32
      %add3A_377 = arith.addi %add3A_250, %add3A_376 : i32
      %get3A_378 = arith.index_cast %add3A_377 : i32 to index
      %get3A_379 = tpu.vector_load %arg6[%get3A_378] {strides = array<i32>} : memref<13312xi32, #tpu.memory_space<vmem>>, vector<16xi32>,
      %ge3A_380 = arith.constant 50176 : i32
      %ge3A_381 = vector.broadcast %ge3A_380 : i32 to vector<16xi32>
      %ge3A_382 = arith.cmpi sge, %get3A_379, %ge3A_381 : vector<16xi32>
      %sub3A_383 = arith.constant 50176 : i32
      %sub3A_384 = vector.broadcast %sub3A_383 : i32 to vector<16xi32>
      %sub3A_385 = arith.subi %get3A_379, %sub3A_384 : vector<16xi32>
      %select_n3A_386 = arith.select %ge3A_382, %sub3A_385, %get3A_379 : vector<16xi1>, vector<16xi32>
      %gather3A_387 = tpu.vector_load_idx %arg5[%select_n3A_386] : memref<50176xi32, #tpu.memory_space<vmem>>[vector<16xi32>], vector<16xi32>,
      %and3A_388 = arith.constant -65536 : i32
      %and3A_389 = vector.broadcast %and3A_388 : i32 to vector<16xi32>
      %and3A_390 = arith.andi %gather3A_387, %and3A_389 : vector<16xi32>
      %shift_left3A_391 = arith.constant 16 : i32
      %shift_left3A_392 = vector.broadcast %shift_left3A_391 : i32 to vector<16xi32>
      %shift_left3A_393 = arith.shli %gather3A_387, %shift_left3A_392 : vector<16xi32>
      %select_n3A_394 = arith.select %ge3A_382, %and3A_390, %shift_left3A_393 : vector<16xi1>, vector<16xi32>
      %bitcast_convert_type3A_395 = tpu.bitcast %select_n3A_394 : vector<16xi32> -> vector<16xf32>
      %swap3A_396 = arith.index_cast %add3A_377 : i32 to index
      %swap3A_397 = tpu.vector_load %arg7[%swap3A_396] {strides = array<i32>} : memref<13312xf32, #tpu.memory_space<vmem>>, vector<16xf32>,
      tpu.vector_store %arg7[%swap3A_396], %bitcast_convert_type3A_395 {strides = array<i32>} : memref<13312xf32, #tpu.memory_space<vmem>>, vector<16xf32>,
      %add3A_398 = arith.constant 112 : i32
      %add3A_399 = arith.addi %add3A_250, %add3A_398 : i32
      %get3A_400 = arith.index_cast %add3A_399 : i32 to index
      %get3A_401 = tpu.vector_load %arg6[%get3A_400] {strides = array<i32>} : memref<13312xi32, #tpu.memory_space<vmem>>, vector<16xi32>,
      %ge3A_402 = arith.constant 50176 : i32
      %ge3A_403 = vector.broadcast %ge3A_402 : i32 to vector<16xi32>
      %ge3A_404 = arith.cmpi sge, %get3A_401, %ge3A_403 : vector<16xi32>
      %sub3A_405 = arith.constant 50176 : i32
      %sub3A_406 = vector.broadcast %sub3A_405 : i32 to vector<16xi32>
      %sub3A_407 = arith.subi %get3A_401, %sub3A_406 : vector<16xi32>
      %select_n3A_408 = arith.select %ge3A_404, %sub3A_407, %get3A_401 : vector<16xi1>, vector<16xi32>
      %gather3A_409 = tpu.vector_load_idx %arg5[%select_n3A_408] : memref<50176xi32, #tpu.memory_space<vmem>>[vector<16xi32>], vector<16xi32>,
      %and3A_410 = arith.constant -65536 : i32
      %and3A_411 = vector.broadcast %and3A_410 : i32 to vector<16xi32>
      %and3A_412 = arith.andi %gather3A_409, %and3A_411 : vector<16xi32>
      %shift_left3A_413 = arith.constant 16 : i32
      %shift_left3A_414 = vector.broadcast %shift_left3A_413 : i32 to vector<16xi32>
      %shift_left3A_415 = arith.shli %gather3A_409, %shift_left3A_414 : vector<16xi32>
      %select_n3A_416 = arith.select %ge3A_404, %and3A_412, %shift_left3A_415 : vector<16xi1>, vector<16xi32>
      %bitcast_convert_type3A_417 = tpu.bitcast %select_n3A_416 : vector<16xi32> -> vector<16xf32>
      %swap3A_418 = arith.index_cast %add3A_399 : i32 to index
      %swap3A_419 = tpu.vector_load %arg7[%swap3A_418] {strides = array<i32>} : memref<13312xf32, #tpu.memory_space<vmem>>, vector<16xf32>,
      tpu.vector_store %arg7[%swap3A_418], %bitcast_convert_type3A_417 {strides = array<i32>} : memref<13312xf32, #tpu.memory_space<vmem>>, vector<16xf32>,
    }
    %scan3A_243 = arith.constant 104 : i32
    %mul3A_244 = arith.constant 13312 : i32
    %mul3A_245 = arith.muli %add3A, %mul3A_244 : i32
    "tpu.region"() ({
      %run_scoped3A = tpu.sem_alloc : memref<!tpu.dma_semaphore, #tpu.memory_space<semaphore_mem>>
      %dma_start3A_246 = tpu.memref_slice %arg4[%mul3A_245] : memref<425984xf32, #tpu.memory_space<hbm>> -> memref<13312xf32, #tpu.memory_space<hbm>>
      %dma_start3A_247 = tpu.memref_slice %arg4[%mul3A_245] : memref<425984xf32, #tpu.memory_space<hbm>> -> memref<13312xf32, #tpu.memory_space<hbm>>
      tpu.enqueue_dma source(%arg7 : memref<13312xf32, #tpu.memory_space<vmem>>) target(%dma_start3A_247 : memref<13312xf32, #tpu.memory_space<hbm>>) target_semaphore(%run_scoped3A : memref<!tpu.dma_semaphore, #tpu.memory_space<semaphore_mem>>)
      %dma_wait3A_248 = tpu.memref_slice %arg4[%mul3A_245] : memref<425984xf32, #tpu.memory_space<hbm>> -> memref<13312xf32, #tpu.memory_space<hbm>>
      %dma_wait3A_249 = tpu.memref_slice %arg4[%mul3A_245] : memref<425984xf32, #tpu.memory_space<hbm>> -> memref<13312xf32, #tpu.memory_space<hbm>>
      tpu.wait_dma2 semaphore(%run_scoped3A : memref<!tpu.dma_semaphore, #tpu.memory_space<semaphore_mem>>) src(%arg7 : memref<13312xf32, #tpu.memory_space<vmem>>) dst(%dma_wait3A_249 : memref<13312xf32, #tpu.memory_space<hbm>>)
      tpu.yield
    }) : () -> ()
    return
  }
}

module attributes {stable_mosaic.version = 14 : i64} {
  func.func @_distances_kernel(%arg0: memref<784x128xf32, #tpu.memory_space<vmem>>, %arg1: memref<392x128xi32, #tpu.memory_space<vmem>>) attributes {dimension_semantics = [], scalar_prefetch = 0 : i64, scratch_operands = 0 : i64, tpu.core_type = #tpu.core_type<tc>} {
    %get3A = arith.constant 0 : index
    %get3A_0 = arith.constant 0 : index
    %get3A_1 = vector.load %arg0[%get3A, %get3A_0] : memref<784x128xf32, #tpu.memory_space<vmem>>, vector<784x128xf32>
    %reduce_max3A = vector.shape_cast %get3A_1 : vector<784x128xf32> to vector<1x784x128xf32>
    %reduce_max3A_2 = arith.constant dense<0xFF800000> : vector<1xf32>
    %reduce_max3A_3 = vector.multi_reduction <maximumf>, %reduce_max3A, %reduce_max3A_2 [1, 2] : vector<1x784x128xf32> to vector<1xf32>
    %reduce_max3A_4 = vector.shape_cast %reduce_max3A_3 : vector<1xf32> to vector<1x1x1xf32>
    %reduce_max3A_5 = vector.extract %reduce_max3A_4[0, 0, 0] : f32 from vector<1x1x1xf32>
    %sub3A = vector.broadcast %reduce_max3A_5 : f32 to vector<784x128xf32>
    %sub3A_6 = arith.subf %get3A_1, %sub3A : vector<784x128xf32>
    %exp3A = math.exp %sub3A_6 : vector<784x128xf32>
    %reduce_sum3A = vector.shape_cast %exp3A : vector<784x128xf32> to vector<1x784x128xf32>
    %reduce_sum3A_7 = arith.constant dense<0.000000e+00> : vector<1xf32>
    %reduce_sum3A_8 = vector.multi_reduction <add>, %reduce_sum3A, %reduce_sum3A_7 [1, 2] : vector<1x784x128xf32> to vector<1xf32>
    %reduce_sum3A_9 = vector.shape_cast %reduce_sum3A_8 : vector<1xf32> to vector<1x1x1xf32>
    %reduce_sum3A_10 = vector.extract %reduce_sum3A_9[0, 0, 0] : f32 from vector<1x1x1xf32>
    %iota3A = tpu.iota {dimensions = array<i32: 1>} : vector<784x128xi32>
    %ge3A = arith.constant 1 : i32
    %ge3A_11 = vector.broadcast %ge3A : i32 to vector<784x128xi32>
    %ge3A_12 = arith.cmpi sge, %iota3A, %ge3A_11 : vector<784x128xi32>
    %roll3A = arith.constant 1 : i32
    %roll3A_13 = tpu.dynamic_rotate %exp3A by %roll3A dim 1 : vector<784x128xf32>, i32 -> vector<784x128xf32>
    %jit3A = arith.constant 0.000000e+00 : f32
    %broadcast_in_dim3A = vector.broadcast %jit3A : f32 to vector<784x128xf32>
    %select_n3A = arith.select %ge3A_12, %roll3A_13, %broadcast_in_dim3A : vector<784x128xi1>, vector<784x128xf32>
    %add3A = arith.addf %exp3A, %select_n3A : vector<784x128xf32>
    %ge3A_14 = arith.constant 2 : i32
    %ge3A_15 = vector.broadcast %ge3A_14 : i32 to vector<784x128xi32>
    %ge3A_16 = arith.cmpi sge, %iota3A, %ge3A_15 : vector<784x128xi32>
    %roll3A_17 = arith.constant 2 : i32
    %roll3A_18 = tpu.dynamic_rotate %add3A by %roll3A_17 dim 1 : vector<784x128xf32>, i32 -> vector<784x128xf32>
    %jit3A_19 = arith.constant 0.000000e+00 : f32
    %broadcast_in_dim3A_20 = vector.broadcast %jit3A_19 : f32 to vector<784x128xf32>
    %select_n3A_21 = arith.select %ge3A_16, %roll3A_18, %broadcast_in_dim3A_20 : vector<784x128xi1>, vector<784x128xf32>
    %add3A_22 = arith.addf %add3A, %select_n3A_21 : vector<784x128xf32>
    %ge3A_23 = arith.constant 4 : i32
    %ge3A_24 = vector.broadcast %ge3A_23 : i32 to vector<784x128xi32>
    %ge3A_25 = arith.cmpi sge, %iota3A, %ge3A_24 : vector<784x128xi32>
    %roll3A_26 = arith.constant 4 : i32
    %roll3A_27 = tpu.dynamic_rotate %add3A_22 by %roll3A_26 dim 1 : vector<784x128xf32>, i32 -> vector<784x128xf32>
    %jit3A_28 = arith.constant 0.000000e+00 : f32
    %broadcast_in_dim3A_29 = vector.broadcast %jit3A_28 : f32 to vector<784x128xf32>
    %select_n3A_30 = arith.select %ge3A_25, %roll3A_27, %broadcast_in_dim3A_29 : vector<784x128xi1>, vector<784x128xf32>
    %add3A_31 = arith.addf %add3A_22, %select_n3A_30 : vector<784x128xf32>
    %ge3A_32 = arith.constant 8 : i32
    %ge3A_33 = vector.broadcast %ge3A_32 : i32 to vector<784x128xi32>
    %ge3A_34 = arith.cmpi sge, %iota3A, %ge3A_33 : vector<784x128xi32>
    %roll3A_35 = arith.constant 8 : i32
    %roll3A_36 = tpu.dynamic_rotate %add3A_31 by %roll3A_35 dim 1 : vector<784x128xf32>, i32 -> vector<784x128xf32>
    %jit3A_37 = arith.constant 0.000000e+00 : f32
    %broadcast_in_dim3A_38 = vector.broadcast %jit3A_37 : f32 to vector<784x128xf32>
    %select_n3A_39 = arith.select %ge3A_34, %roll3A_36, %broadcast_in_dim3A_38 : vector<784x128xi1>, vector<784x128xf32>
    %add3A_40 = arith.addf %add3A_31, %select_n3A_39 : vector<784x128xf32>
    %ge3A_41 = arith.constant 16 : i32
    %ge3A_42 = vector.broadcast %ge3A_41 : i32 to vector<784x128xi32>
    %ge3A_43 = arith.cmpi sge, %iota3A, %ge3A_42 : vector<784x128xi32>
    %roll3A_44 = arith.constant 16 : i32
    %roll3A_45 = tpu.dynamic_rotate %add3A_40 by %roll3A_44 dim 1 : vector<784x128xf32>, i32 -> vector<784x128xf32>
    %jit3A_46 = arith.constant 0.000000e+00 : f32
    %broadcast_in_dim3A_47 = vector.broadcast %jit3A_46 : f32 to vector<784x128xf32>
    %select_n3A_48 = arith.select %ge3A_43, %roll3A_45, %broadcast_in_dim3A_47 : vector<784x128xi1>, vector<784x128xf32>
    %add3A_49 = arith.addf %add3A_40, %select_n3A_48 : vector<784x128xf32>
    %ge3A_50 = arith.constant 32 : i32
    %ge3A_51 = vector.broadcast %ge3A_50 : i32 to vector<784x128xi32>
    %ge3A_52 = arith.cmpi sge, %iota3A, %ge3A_51 : vector<784x128xi32>
    %roll3A_53 = arith.constant 32 : i32
    %roll3A_54 = tpu.dynamic_rotate %add3A_49 by %roll3A_53 dim 1 : vector<784x128xf32>, i32 -> vector<784x128xf32>
    %jit3A_55 = arith.constant 0.000000e+00 : f32
    %broadcast_in_dim3A_56 = vector.broadcast %jit3A_55 : f32 to vector<784x128xf32>
    %select_n3A_57 = arith.select %ge3A_52, %roll3A_54, %broadcast_in_dim3A_56 : vector<784x128xi1>, vector<784x128xf32>
    %add3A_58 = arith.addf %add3A_49, %select_n3A_57 : vector<784x128xf32>
    %ge3A_59 = arith.constant 64 : i32
    %ge3A_60 = vector.broadcast %ge3A_59 : i32 to vector<784x128xi32>
    %ge3A_61 = arith.cmpi sge, %iota3A, %ge3A_60 : vector<784x128xi32>
    %roll3A_62 = arith.constant 64 : i32
    %roll3A_63 = tpu.dynamic_rotate %add3A_58 by %roll3A_62 dim 1 : vector<784x128xf32>, i32 -> vector<784x128xf32>
    %jit3A_64 = arith.constant 0.000000e+00 : f32
    %broadcast_in_dim3A_65 = vector.broadcast %jit3A_64 : f32 to vector<784x128xf32>
    %select_n3A_66 = arith.select %ge3A_61, %roll3A_63, %broadcast_in_dim3A_65 : vector<784x128xi1>, vector<784x128xf32>
    %add3A_67 = arith.addf %add3A_58, %select_n3A_66 : vector<784x128xf32>
    %slice3A = vector.extract_strided_slice %add3A_67 {offsets = [0, 127], sizes = [784, 1], strides = [1, 1]} : vector<784x128xf32> to vector<784x1xf32>
    %iota3A_68 = tpu.iota {dimensions = array<i32: 0>} : vector<784x784xi32>
    %iota3A_69 = tpu.iota {dimensions = array<i32: 1>} : vector<784x784xi32>
    %lt3A = arith.cmpi slt, %iota3A_69, %iota3A_68 : vector<784x784xi32>
    %convert_element_type3A = arith.extui %lt3A : vector<784x784xi1> to vector<784x784xi32>
    %convert_element_type3A_70 = arith.sitofp %convert_element_type3A : vector<784x784xi32> to vector<784x784xf32>
    %dot_general3A = arith.constant dense<0.000000e+00> : vector<784x1xf32>
    %dot_general3A_71 = tpu.matmul %convert_element_type3A_70, %slice3A, %dot_general3A {dimension_numbers = #tpu.dot_dimension_numbers<[1], [0], [0], [1], [0, 0, 1, 1], [], []>, transpose_lhs_hint = false} : vector<784x784xf32>, vector<784x1xf32>, vector<784x1xf32> -> vector<784x1xf32>
    %add3A_72 = vector.broadcast %dot_general3A_71 : vector<784x1xf32> to vector<784x128xf32>
    %add3A_73 = arith.addf %add3A_72, %add3A_67 : vector<784x128xf32>
    %sub3A_74 = arith.subf %add3A_73, %exp3A : vector<784x128xf32>
    %div3A = vector.broadcast %reduce_sum3A_10 : f32 to vector<784x128xf32>
    %div3A_75 = arith.divf %sub3A_74, %div3A : vector<784x128xf32>
    %slice3A_76 = vector.extract_strided_slice %div3A_75 {offsets = [0, 0], sizes = [392, 128], strides = [1, 1]} : vector<784x128xf32> to vector<392x128xf32>
    %bitcast_convert_type3A = tpu.bitcast %slice3A_76 : vector<392x128xf32> -> vector<392x128xi32>
    %slice3A_77 = vector.extract_strided_slice %div3A_75 {offsets = [392, 0], sizes = [392, 128], strides = [1, 1]} : vector<784x128xf32> to vector<392x128xf32>
    %bitcast_convert_type3A_78 = tpu.bitcast %slice3A_77 : vector<392x128xf32> -> vector<392x128xi32>
    %add3A_79 = arith.constant 32768 : i32
    %add3A_80 = vector.broadcast %add3A_79 : i32 to vector<392x128xi32>
    %add3A_81 = arith.addi %bitcast_convert_type3A, %add3A_80 : vector<392x128xi32>
    %shift_right_arithmetic3A = arith.constant 16 : i32
    %shift_right_arithmetic3A_82 = vector.broadcast %shift_right_arithmetic3A : i32 to vector<392x128xi32>
    %shift_right_arithmetic3A_83 = arith.shrsi %add3A_81, %shift_right_arithmetic3A_82 : vector<392x128xi32>
    %and3A = arith.constant 65535 : i32
    %and3A_84 = vector.broadcast %and3A : i32 to vector<392x128xi32>
    %and3A_85 = arith.andi %shift_right_arithmetic3A_83, %and3A_84 : vector<392x128xi32>
    %add3A_86 = arith.constant 32768 : i32
    %add3A_87 = vector.broadcast %add3A_86 : i32 to vector<392x128xi32>
    %add3A_88 = arith.addi %bitcast_convert_type3A_78, %add3A_87 : vector<392x128xi32>
    %and3A_89 = arith.constant -65536 : i32
    %and3A_90 = vector.broadcast %and3A_89 : i32 to vector<392x128xi32>
    %and3A_91 = arith.andi %add3A_88, %and3A_90 : vector<392x128xi32>
    %or3A = arith.ori %and3A_91, %and3A_85 : vector<392x128xi32>
    %swap3A = arith.constant 0 : index
    %swap3A_92 = arith.constant 0 : index
    %swap3A_93 = vector.load %arg1[%swap3A, %swap3A_92] : memref<392x128xi32, #tpu.memory_space<vmem>>, vector<392x128xi32>
    tpu.vector_store %arg1[%swap3A, %swap3A_92], %or3A {strides = array<i32>} : memref<392x128xi32, #tpu.memory_space<vmem>>, vector<392x128xi32>,
    return
  }
}

module attributes {stable_mosaic.version = 14 : i64} {
  func.func @_expand_kernel(%arg0: i32, %arg1: memref<1x32x1xf32, #tpu.memory_space<vmem>>, %arg2: memref<1x32x1xf32, #tpu.memory_space<vmem>>, %arg3: memref<2x1x16384xf32, #tpu.memory_space<vmem>>, %arg4: memref<2x32x16384xf32, #tpu.memory_space<vmem>>) attributes {dimension_semantics = [#tpu.dimension_semantics<arbitrary>], iteration_bounds = array<i64: 13>, scalar_prefetch = 0 : i64, scratch_operands = 0 : i64, tpu.core_type = #tpu.core_type<tc>, window_params = [{pipeline_mode = #tpu.pipeline_mode<synchronous>, transform_indices = @transform_0, window_bounds = array<i64: 1, 32, 1>}, {pipeline_mode = #tpu.pipeline_mode<synchronous>, transform_indices = @transform_1, window_bounds = array<i64: 1, 32, 1>}, {transform_indices = @transform_2, window_bounds = array<i64: 2, 1, 16384>}, {transform_indices = @transform_3, window_bounds = array<i64: 2, 32, 16384>}]} {
    %get3A = arith.constant 0 : index
    %get3A_0 = arith.constant 0 : index
    %get3A_1 = arith.constant 0 : index
    %get3A_2 = vector.load %arg3[%get3A, %get3A_0, %get3A_1] : memref<2x1x16384xf32, #tpu.memory_space<vmem>>, vector<2x1x16384xf32>
    %get3A_3 = arith.constant 0 : index
    %get3A_4 = arith.constant 0 : index
    %get3A_5 = arith.constant 0 : index
    %get3A_6 = vector.load %arg1[%get3A_3, %get3A_4, %get3A_5] : memref<1x32x1xf32, #tpu.memory_space<vmem>>, vector<1x32x1xf32>
    %mul3A = vector.broadcast %get3A_6 : vector<1x32x1xf32> to vector<2x32x16384xf32>
    %mul3A_7 = vector.broadcast %get3A_2 : vector<2x1x16384xf32> to vector<2x32x16384xf32>
    %mul3A_8 = arith.mulf %mul3A, %mul3A_7 : vector<2x32x16384xf32>
    %get3A_9 = arith.constant 0 : index
    %get3A_10 = arith.constant 0 : index
    %get3A_11 = arith.constant 0 : index
    %get3A_12 = vector.load %arg2[%get3A_9, %get3A_10, %get3A_11] : memref<1x32x1xf32, #tpu.memory_space<vmem>>, vector<1x32x1xf32>
    %add3A = vector.broadcast %get3A_12 : vector<1x32x1xf32> to vector<2x32x16384xf32>
    %add3A_13 = arith.addf %mul3A_8, %add3A : vector<2x32x16384xf32>
    %swap3A = arith.constant 0 : index
    %swap3A_14 = arith.constant 0 : index
    %swap3A_15 = arith.constant 0 : index
    %swap3A_16 = vector.load %arg4[%swap3A, %swap3A_14, %swap3A_15] : memref<2x32x16384xf32, #tpu.memory_space<vmem>>, vector<2x32x16384xf32>
    tpu.vector_store %arg4[%swap3A, %swap3A_14, %swap3A_15], %add3A_13 {strides = array<i32>} : memref<2x32x16384xf32, #tpu.memory_space<vmem>>, vector<2x32x16384xf32>,
    return
  }
  func.func @transform_0(%arg0: i32) -> (i32, i32, i32) {
    %c0_i32 = arith.constant 0 : i32
    %c0_i32_0 = arith.constant 0 : i32
    %c0_i32_1 = arith.constant 0 : i32
    %c0_i32_2 = arith.constant 0 : i32
    return %c0_i32, %c0_i32_0, %c0_i32_1 : i32, i32, i32
  }
  func.func @transform_1(%arg0: i32) -> (i32, i32, i32) {
    %c0_i32 = arith.constant 0 : i32
    %c0_i32_0 = arith.constant 0 : i32
    %c0_i32_1 = arith.constant 0 : i32
    %c0_i32_2 = arith.constant 0 : i32
    return %c0_i32, %c0_i32_0, %c0_i32_1 : i32, i32, i32
  }
  func.func @transform_2(%arg0: i32) -> (i32, i32, i32) {
    %c0_i32 = arith.constant 0 : i32
    %c0_i32_0 = arith.constant 0 : i32
    %c0_i32_1 = arith.constant 0 : i32
    return %arg0, %c0_i32, %c0_i32_0 : i32, i32, i32
  }
  func.func @transform_3(%arg0: i32) -> (i32, i32, i32) {
    %c0_i32 = arith.constant 0 : i32
    %c0_i32_0 = arith.constant 0 : i32
    %c0_i32_1 = arith.constant 0 : i32
    return %arg0, %c0_i32, %c0_i32_0 : i32, i32, i32
  }
}

</mosaic_0001>

<sc_bundles>
// kernel: kernel.5.cloned.1.call-start
scs
__scs_entry_jumppad:
0x0: {  	(pc) =	sbr.rel $0x88, $3  }
0x1: {  	(tag) =	ssettag $0x0;
	lr =	simm.s32 $0x1  }
0x2: {  	[smem:$0x3F9D] =	sst lr;
	_ =	strace $0xD0000000  }
0x3: {  	_ = 	snop  }
0x4: {  	_ = 	snop  }
0x5: {  	_ = 	snop  }
0x6: {  	_ = 	snop  }
0x7: {  	_ = 	snop  }
__scs_overlays_trampoline_lowered:
0x8: {  	[smem:$0x3FAC] =	sst s0  }
0x9: {  	[smem:$0x3FAD] =	sst s1  }
0xa: {  	[smem:$0x3FAE] =	sst s2  }
0xb: {  	[smem:$0x3FAF] =	sst s3  }
0xc: {  	[smem:$0x3FB0] =	sst s4  }
0xd: {  	[smem:$0x3FB1] =	sst s5  }
0xe: {  	[smem:$0x3FB2] =	sst s6  }
0xf: {  	[smem:$0x3FB3] =	sst s7  }
0x10: {  	[smem:$0x3FB4] =	sst s8  }
0x11: {  	[smem:$0x3FB5] =	sst s9;
	s0 =	simm.s32 @!p0 $0x0  }
0x12: {  	s1 =	sld [smem:$0x3F9B];
	s0 =	simm.s32 @p0 $0x1  }
0x13: {  	[smem:$0x3FB6] =	sst s0;
	s0 =	simm.s32 @!p1 $0x0  }
0x14: {  	s2 =	sld [smem:$0x3F9A];
	s0 =	simm.s32 @p1 $0x1  }
0x15: {  	[smem:$0x3FB7] =	sst s0;
	s0 =	simm.s32 @!p2 $0x0  }
0x16: {  	s3 =	sld [smem:$0x3FDB];
	s0 =	simm.s32 @p2 $0x1  }
0x17: {  	s4 =	simm.s32 $0x1BF5;
	[smem:$0x3FB9] =	sst s0  }
0x18: {  	s0 =	sld [smem:$0x3F9C];
	_ =	swait.ge [sflag:s4], $0x0  }
0x19: {  	s7 =	sld [smem:$0x3F9D]  }
0x1a: {  	s8 =	sadd.s32 $0xFFFFE003, lr  }
0x1b: {  	s9 =	sadd.s32 $0xFFFFFEF7, lr;
	s5 =	simm.s32 $0xFFFFFFFF;
	p2 =	slt.u32 s8, $0xFFFFF086  }
0x1c: {  	p1 =	slt.u32 s9, $0xF7A;
	s5 =	simm.s32 @!p2 $0x0  }
0x1d: {  	s5 =	simm.s32 @p1 $0x1;
	p0 =	seq.s32 s7, s2  }
0x1e: {  	s7 =	smul.u32 @!p0 $0xF7A, s2;
	p2 =	seq.s32 @!p0 s5, $0x0  }
0x1f: {  	s9 =	smul.u32 $0xF7A, s1;
	s8 =	simm.s32 @!p0 $0x1BF5;
	p2 =	por !p2, p0  }
0x20: {  	[sflag:s8] =	ssyncset.s32 @!p0 $0xFFFFF086;
	s6 =	sadd.s32 @!p0 s3, s7;
	s7 =	simm.s32 @!p0 $0x108  }
0x21: {  	s3 =	sadd.s32 s3, s9;
	s6 =	sadd.s32 @!p0 $0x88, s6;
	s7 =	simm.s32 @p2 $0x1082  }
0x22: {  	[simem:s7], [sflag:s8] =	dma.local @!p0 [hbm:s6], $0xF7A  }
0x23: {  	s9 =	sor.u32 $0xD0000000, s2;
	s6 =	simm.s32 $0x108;
	_ =	swait.ge @!p0 [sflag:s8], $0x0  }
0x24: {  	s3 =	sadd.s32 $0x88, s3;
	s6 =	simm.s32 @!p1 $0x1082;
	[sflag:s4] =	ssyncset.s32 $0xFFFFF086  }
0x25: {  	[simem:s6], [sflag:s4] =	dma.local [hbm:s3], $0xF7A  }
0x26: {  	[smem:$0x3F9D] =	sst s1;
	(tag) =	ssettag s2;
	_ =	strace s9  }
0x27: {  	s1 =	sld [smem:$0x3FAD]  }
0x28: {  	s2 =	sld [smem:$0x3FAE]  }
0x29: {  	s4 =	sld [smem:$0x3FB0]  }
0x2a: {  	p0 =	seq.s32 s5, $0x0;
	s5 =	sld [smem:$0x3FB1]  }
0x2b: {  	s6 =	sld [smem:$0x3FB2]  }
0x2c: {  	s7 =	sld [smem:$0x3FB3]  }
0x2d: {  	s3 =	simm.s32 $0x108;
	s8 =	sld [smem:$0x3FB4]  }
0x2e: {  	s3 =	simm.s32 @!p0 $0x1082;
	s9 =	sld [smem:$0x3FB5]  }
0x2f: {  	lr =	sadd.s32 s0, s3;
	s0 =	sld [smem:$0x3FAC]  }
0x30: {  	s3 =	sld [smem:$0x3FAF]  }
0x31: {  	[smem:$0x3FB8] =	sst s10  }
0x32: {  	s10 =	sld [smem:$0x3FB6];
	_ =	sdelay $0x3  }
0x33: {  	p0 =	seq.s32 s10, $0x1;
	s10 =	sld [smem:$0x3FB8];
	_ =	sdelay $0x3  }
0x34: {  	[smem:$0x3FB8] =	sst s10  }
0x35: {  	s10 =	sld [smem:$0x3FB7];
	_ =	sdelay $0x3  }
0x36: {  	p1 =	seq.s32 s10, $0x1;
	s10 =	sld [smem:$0x3FB8];
	_ =	sdelay $0x3  }
0x37: {  	[smem:$0x3FB8] =	sst s10  }
0x38: {  	s10 =	sld [smem:$0x3FB9]  }
0x39: {  	_ = 	snop;
	(pc) =	sbr.ind lr, $3  }
0x3a: {  	_ = 	snop  }
0x3b: {  	_ = 	snop  }
0x3c: {  	p2 =	seq.s32 s10, $0x1;
	s10 =	sld [smem:$0x3FB8]  }
0x3d: {  	_ =	shalt  }
0x3e: {  	_ =	shalt  }
0x3f: {  	_ =	shalt  }
0x40: {  	_ =	shalt  }
0x41: {  	_ =	shalt  }
0x42: {  	_ =	shalt  }
0x43: {  	_ =	shalt  }
0x44: {  	_ =	shalt  }
0x45: {  	_ =	shalt  }
0x46: {  	_ =	shalt  }
0x47: {  	_ =	shalt  }
0x48: {  	_ =	shalt  }
0x49: {  	_ =	shalt  }
0x4a: {  	_ =	shalt  }
0x4b: {  	_ =	shalt  }
0x4c: {  	_ =	shalt  }
0x4d: {  	_ =	shalt  }
0x4e: {  	_ =	shalt  }
0x4f: {  	_ =	shalt  }
0x50: {  	_ =	shalt  }
0x51: {  	_ =	shalt  }
0x52: {  	_ =	shalt  }
0x53: {  	_ =	shalt  }
0x54: {  	_ =	shalt  }
0x55: {  	_ =	shalt  }
0x56: {  	_ =	shalt  }
0x57: {  	_ =	shalt  }
0x58: {  	_ =	shalt  }
0x59: {  	_ =	shalt  }
0x5a: {  	_ =	shalt  }
0x5b: {  	_ =	shalt  }
0x5c: {  	_ =	shalt  }
0x5d: {  	_ =	shalt  }
0x5e: {  	_ =	shalt  }
0x5f: {  	_ =	shalt  }
0x60: {  	_ =	shalt  }
0x61: {  	_ =	shalt  }
0x62: {  	_ =	shalt  }
0x63: {  	_ =	shalt  }
0x64: {  	_ =	shalt  }
0x65: {  	_ =	shalt  }
0x66: {  	_ =	shalt  }
0x67: {  	_ =	shalt  }
0x68: {  	_ =	shalt  }
0x69: {  	_ =	shalt  }
0x6a: {  	_ =	shalt  }
0x6b: {  	_ =	shalt  }
0x6c: {  	_ =	shalt  }
0x6d: {  	_ =	shalt  }
0x6e: {  	_ =	shalt  }
0x6f: {  	_ =	shalt  }
0x70: {  	_ =	shalt  }
0x71: {  	_ =	shalt  }
0x72: {  	_ =	shalt  }
0x73: {  	_ =	shalt  }
0x74: {  	_ =	shalt  }
0x75: {  	_ =	shalt  }
0x76: {  	_ =	shalt  }
0x77: {  	_ =	shalt  }
0x78: {  	_ =	shalt  }
0x79: {  	_ =	shalt  }
0x7a: {  	_ =	shalt  }
0x7b: {  	_ =	shalt  }
0x7c: {  	_ =	shalt  }
0x7d: {  	_ =	shalt  }
0x7e: {  	_ =	shalt  }
0x7f: {  	_ =	shalt  }
0x80: {  	_ =	shalt  }
0x81: {  	_ =	shalt  }
0x82: {  	_ =	shalt  }
0x83: {  	_ =	shalt  }
0x84: {  	_ =	shalt  }
0x85: {  	_ =	shalt  }
0x86: {  	_ =	shalt  }
0x87: {  	_ =	shalt  }
.Lfunc_end0:
.L_simem_size_0:
called_computation_lowered:
.L_overlay_start_0:
0x88: {  	s2 =	sld [smem:$0x3FD9]  }
0x89: {  	s3 =	sld [smem:$0x3FFE];
	_ =	sdelay $0x1  }
0x8a: {  	s1 =	srdreg.scid  }
0x8b: {  	s0 =	sand.u32 $0x1, s1  }
0x8c: {  	s17 =	sshll.u32 s0, $0xA;
	s2 =	sadd.s32 s3, s2  }
0x8d: {  	s2 =	sadd.s32 s2, s17  }
0x8e: {  	[smem:$0x3FC4] =	sst s2  }
0x8f: {  	_ = 	snop  }
0x90: {  	s2 =	sld [smem:$0x3FD0];
	(tm) =	ssettm $0x1  }
0x91: {  	s18 =	sld [smem:$0x3FFB];
	_ =	sdelay $0x3  }
0x92: {  	_ =	strace s18  }
0x93: {  	s3 =	sld [smem:$0x3FFC];
	_ =	sdelay $0x3  }
0x94: {  	_ =	strace s3  }
0x95: {  	s3 =	sld [smem:$0x3FFD];
	_ =	sdelay $0x3  }
0x96: {  	_ =	strace s3  }
0x97: {  	_ =	strace $0x8FFFFFFF  }
0x98: {  	s19 =	sld [smem:$0x3FDB];
	_ =	sdelay $0x1  }
0x99: {  	s4 =	simm.s32 $_scs_section_size  }
0x9a: {  	s5 =	simm.s32 $_size__tile_overlayer_lowered;
	s6 =	simm.s32 $_tile_overlayer_lowered  }
0x9b: {  	s22 =	simm.s32 $0x1BFF;
	s21 =	sshll.u32 s6, $0x1;
	s3 =	sadd.s32 s4, s19  }
0x9c: {  	s7 =	simm.s32 $0x0;
	s20 =	sshll.u32 s5, $0x1;
	s5 =	sadd.s32 s21, s3  }
0x9d: {  	[timem:s7], [sflag:s22] =	dma.local [hbm:s5], s20  }
0x9e: {  	_ =	swait.ge [sflag:s22], s20  }
0x9f: {  	s4 =	ssub.s32 $0x0, s20;
	[sflag:s22] =	ssyncset.done $0x0  }
0xa0: {  	[sflag:s22] =	ssyncadd.s32 s4;
	_ =	sdelay $0x1  }
0xa1: {  	s23 =	simm.s32 $0x1B8B  }
0xa2: {  	_ =	swait.ge [sflag:s23], $0x1  }
0xa3: {  	[sflag:s23] =	ssyncset.done $0x0  }
0xa4: {  	s25 =	simm.s32 $0x1B8E;
	s24 =	sld [smem:$0x3FFE];
	[sflag:s23] =	ssyncadd.s32 $0xFFFFFFFF  }
0xa5: {  	s26 =	simm.s32 $execute0_lowered;
	[smem:$0x3FD2] =	sst s25  }
0xa6: {  	s5 =	sshll.u32 s26, $0x1;
	_ =	strace $0x80000046;
	[dreg:$0x1] =	wrdreg $0xFFFFFFFF  }
0xa7: {  	s28 =	simm.s32 $_size_execute0_lowered;
	s3 =	sadd.s32 s3, s5;
	[dreg:$0x0] =	wrdreg $0x0  }
0xa8: {  	s5 =	sshll.u32 s28, $0x1;
	[dreg:$0x2] =	wrdreg s3  }
0xa9: {  	[dreg:$0x3] =	wrdreg s5  }
0xaa: {  	[dreg:$0x4] =	wrdreg $0xC0  }
0xab: {  	_ =	task [dreg:s7], $0x5FFFF  }
0xac: {  	[dreg:$0x1] =	wrdreg $0xFFFFFFFF  }
0xad: {  	[dreg:$0x0] =	wrdreg $0x60  }
0xae: {  	[dreg:$0x2] =	wrdreg s24  }
0xaf: {  	[dreg:$0x3] =	wrdreg s2  }
0xb0: {  	[dreg:$0x4] =	wrdreg $0x9  }
0xb1: {  	_ =	task.clear_ibuf [dreg:s7], $0x5FFFF;
	_ =	strace $0x90000046  }
0xb2: {  	s29 =	simm.s32 $0x9;
	_ =	strace $0x80000048  }
0xb3: {  	_ =	swait.ge [sflag:s29], $0x1  }
0xb4: {  	[sflag:s29] =	ssyncadd.s32 $0xFFFFFFFF  }
0xb5: {  	_ =	strace $0x90000048  }
0xb6: {  	_ =	sfence  }
0xb7: {  	s30 =	sld [smem:$0x0];
	_ =	sdelay $0x2  }
0xb8: {  	s31 =	sshll.u32 s1, $0xD;
	s1 =	sshrl.u32 s1, $0x2  }
0xb9: {  	s3 =	sand.u32 $0x4000, s31;
	s1 =	sadd.s32 s1, s30  }
0xba: {  	s0 =	sor.u32 s3, s0;
	s1 =	sshll.u32 s1, $0x11  }
0xbb: {  	s0 =	sor.u32 s1, s0  }
0xbc: {  	s0 =	sadd.s32 $0x8F2B, s0  }
0xbd: {  	[sflag:s0] =	ssyncadd.remote.s32 $0x1  }
0xbe: {  	_ =	sfence.sel $0xFFFF  }
0xbf: {  	[dreg:$0x0] =	wrdreg $0xFFFFFFFF;
	(pc) =	sbr.abs _section_cstart, $3  }
0xc0: {  	[dreg:$0x1] =	wrdreg $0xFFFFFFFF  }
0xc1: {  	_ =	task.clear_ibuf [dreg:s7], $0x2FFFF;
	_ =	strace $0x9FFFFFFF  }
0xc2: {  	(tm) =	ssettm $0x7FFFFFFF  }
0xc3: {  	_ =	shalt  }
tec
execute0_lowered:
.L_overlay_start_1:
0x0: {  	(tag) =	ssettag $0x1  }
0x1: {  	s3 =	rddreg [dreg:$0x0];
	s1 =	srdreg.scid  }
0x2: {  	s0 =	stileid.u32;
	s6 =	rddreg [dreg:$0x1]  }
0x3: {  	s2 =	simm.s32 $0x0;
	s23 =	simm.s32 $0x1;
	s28 =	simm.s32 $0x0  }
0x4: {  	s4 =	sand.u32 $0x1, s1;
	s5 =	sshll.u32 s0, $0x1;
	s1 =	rddreg [dreg:$0x2]  }
0x5: {  	[smem:$0x7FF] =	sst s2;
	s19 =	sadd.s32 $0xC00, s3;
	s13 =	sor.u32 s4, s5  }
0x6: {  	_ =	strace $0x80000047;
	s9 =	ssub.s32 $0x2, s4;
	s7 =	smul.u32 $0x680, s13  }
0x7: {  	s11 =	sand.u32 $0x7, s13;
	s5 =	sadd.s32 $0x1, s13;
	s8 =	sadd.s32 $0x2, s13  }
0x8: {  	s25 =	sshrl.u32 s9, $0x1;
	s30 =	sadd.s32 $0x3, s13;
	s12 =	sadd.s32 $0x5, s13  }
0x9: {  	s5 =	sand.u32 $0x7, s5;
	s20 =	sadd.s32 s7, s3;
	s3 =	smul.u32 $0x1880, s11  }
0xa: {  	s14 =	sadd.s32 $0x6, s13;
	s24 =	sand.u32 $0x7, s8;
	s4 =	smul.u32 $0x1880, s5  }
0xb: {  	s15 =	sadd.s32 $0xFFFFFFFF, s13;
	s12 =	sand.u32 $0x7, s12;
	s5 =	smul.u32 $0x1880, s24  }
0xc: {  	s21 =	ssub.s32 s9, s25;
	s14 =	sand.u32 $0x7, s14;
	s12 =	smul.u32 $0x1880, s12  }
0xd: {  	s15 =	sand.u32 $0x7, s15;
	s25 =	simm.s32 $0xF800;
	s13 =	smul.u32 $0x1880, s14  }
0xe: {  	s6 =	sadd.s32 s6, s7;
	s11 =	sxor.u32 $0x4, s11;
	s15 =	smul.u32 $0x1880, s15  }
0xf: {  	s21 =	smax.u32 s21, $0x1;
	s24 =	simm.s32 $0x2;
	s11 =	smul.u32 $0x1880, s11  }
0x10: {  	s20 =	sadd.s32 $0x2600, s20;
	s10 =	sshrl.u32 s3, $0x3;
	s26 =	sshrl.u32 s4, $0x3  }
0x11: {  	s29 =	sshrl.u32 s5, $0x3;
	s7 =	sadd.s32 s19, s10;
	s10 =	sand.u32 $0x7, s30  }
0x12: {  	s17 =	sshrl.u32 s12, $0x3;
	s18 =	sshrl.u32 s13, $0x3;
	s10 =	smul.u32 $0x1880, s10  }
0x13: {  	s22 =	sshrl.u32 s15, $0x3;
	s8 =	sadd.s32 s19, s26;
	s9 =	sadd.s32 s19, s29  }
0x14: {  	s31 =	sshrl.u32 s11, $0x3;
	s17 =	sadd.s32 s19, s17;
	s16 =	sshrl.u32 s10, $0x3  }
0x15: {  	s18 =	sadd.s32 s19, s18;
	s26 =	simm.s32 $0x3;
	s14 =	sadd.s32 s19, s16  }
0x16: {  	s16 =	sadd.s32 s19, s31;
	s19 =	sadd.s32 s19, s22;
	s22 =	simm.s32 $0xC400  }
.LBB2_1:
0x17: {  	[tilespmem:s22], [sflag:$0x2] =	stream.linear.gather [hbm4b:s6+s2], $0x3400, $0x38;
	[tilespmem:$0x12C00] =	vst v63  }
0x18: {  	_ = 	snop  }
0x19: {  	[tilespmem:s3], [sflag:$0x1] =	stream.linear.gather [hbm4b:s7+s2], $0x1880, $0x38;
	[tilespmem:$0x12C00] =	vst v63  }
0x1a: {  	_ = 	snop  }
0x1b: {  	[tilespmem:s4], [sflag:$0x1] =	stream.linear.gather [hbm4b:s8+s2], $0x1880, $0x38;
	[tilespmem:$0x12C00] =	vst v63  }
0x1c: {  	_ = 	snop  }
0x1d: {  	[tilespmem:s5], [sflag:$0x1] =	stream.linear.gather [hbm4b:s9+s2], $0x1880, $0x38;
	[tilespmem:$0x12C00] =	vst v63  }
0x1e: {  	_ = 	snop  }
0x1f: {  	[tilespmem:s10], [sflag:$0x1] =	stream.linear.gather [hbm4b:s14+s2], $0x1880, $0x38;
	[tilespmem:$0x12C00] =	vst v63  }
0x20: {  	_ = 	snop  }
0x21: {  	[tilespmem:s11], [sflag:$0x1] =	stream.linear.gather [hbm4b:s16+s2], $0x1880, $0x38;
	[tilespmem:$0x12C00] =	vst v63  }
0x22: {  	_ = 	snop  }
0x23: {  	[tilespmem:s12], [sflag:$0x1] =	stream.linear.gather [hbm4b:s17+s2], $0x1880, $0x38;
	[tilespmem:$0x12C00] =	vst v63  }
0x24: {  	_ = 	snop  }
0x25: {  	[tilespmem:s13], [sflag:$0x1] =	stream.linear.gather [hbm4b:s18+s2], $0x1880, $0x38;
	[tilespmem:$0x12C00] =	vst v63  }
0x26: {  	_ = 	snop  }
0x27: {  	[tilespmem:s15], [sflag:$0x1] =	stream.linear.gather [hbm4b:s19+s2], $0x1880, $0x38;
	[tilespmem:$0x12C00] =	vst v63  }
0x28: {  	_ =	swait.ge [sflag:s23], $0x1880  }
0x29: {  	[sflag:s23] =	ssyncset.done $0x0  }
0x2a: {  	[sflag:s23] =	ssyncadd.s32 $0xFFFFE780  }
0x2b: {  	_ =	swait.ge [sflag:s23], $0x1880  }
0x2c: {  	[sflag:s23] =	ssyncset.done $0x0  }
0x2d: {  	[sflag:s23] =	ssyncadd.s32 $0xFFFFE780  }
0x2e: {  	_ =	swait.ge [sflag:s23], $0x1880  }
0x2f: {  	[sflag:s23] =	ssyncset.done $0x0  }
0x30: {  	[sflag:s23] =	ssyncadd.s32 $0xFFFFE780  }
0x31: {  	_ =	swait.ge [sflag:s23], $0x1880  }
0x32: {  	[sflag:s23] =	ssyncset.done $0x0  }
0x33: {  	[sflag:s23] =	ssyncadd.s32 $0xFFFFE780  }
0x34: {  	_ =	swait.ge [sflag:s23], $0x1880  }
0x35: {  	[sflag:s23] =	ssyncset.done $0x0  }
0x36: {  	[sflag:s23] =	ssyncadd.s32 $0xFFFFE780  }
0x37: {  	_ =	swait.ge [sflag:s23], $0x1880  }
0x38: {  	[sflag:s23] =	ssyncset.done $0x0  }
0x39: {  	[sflag:s23] =	ssyncadd.s32 $0xFFFFE780  }
0x3a: {  	_ =	swait.ge [sflag:s23], $0x1880  }
0x3b: {  	[sflag:s23] =	ssyncset.done $0x0  }
0x3c: {  	[sflag:s23] =	ssyncadd.s32 $0xFFFFE780  }
0x3d: {  	_ =	swait.ge [sflag:s23], $0x1880  }
0x3e: {  	[sflag:s23] =	ssyncset.done $0x0  }
0x3f: {  	[sflag:s23] =	ssyncadd.s32 $0xFFFFE780  }
0x40: {  	_ =	swait.ge [sflag:s24], $0x3400  }
0x41: {  	[sflag:s24] =	ssyncset.done $0x0  }
0x42: {  	s29 =	simm.s32 $0x0;
	[sflag:s24] =	ssyncadd.s32 $0xFFFFCC00  }
0x43: {  	v0 =	vld [tilespmem:s29+$0xC400];
	_ =	sdelay $0x4  }
0x44: {  	vm0 =	vgt.s32 v0, $0xC3FF;
	v1 =	vadd.s32 $0xFFFF3C00, v0  }
0x45: {  	v0 =	vsel vm0, v1, v0;
	_ =	sdelay $0x1  }
0x46: {  	v1 =	vld [tilespmem:s29+$0xC410];
	_ =	sdelay $0x2  }
0x47: {  	v0 =	vld.idx.msk [tilespmem:v0+s2+$0x0], $0xffff;
	_ =	sdelay $0x1  }
0x48: {  	vm1 =	vgt.s32 v1, $0xC3FF;
	v2 =	vadd.s32 $0xFFFF3C00, v1  }
0x49: {  	v1 =	vsel vm1, v2, v1;
	_ =	sdelay $0x1  }
0x4a: {  	v3 =	vld [tilespmem:s29+$0xC420];
	v2 =	vand.u32 $0xFFFF0000, v0;
	v0 =	vshll.u32 v0, $0x10  }
0x4b: {  	v0 =	vsel vm0, v2, v0  }
0x4c: {  	[tilespmem:s29+$0xF800] =	vst v0  }
0x4d: {  	v0 =	vld.idx.msk [tilespmem:v1+s2+$0x0], $0xffff;
	_ =	sdelay $0x1  }
0x4e: {  	vm0 =	vgt.s32 v3, $0xC3FF;
	v1 =	vadd.s32 $0xFFFF3C00, v3  }
0x4f: {  	v1 =	vsel vm0, v1, v3;
	_ =	sdelay $0x1  }
0x50: {  	v3 =	vld [tilespmem:s29+$0xC430];
	v2 =	vand.u32 $0xFFFF0000, v0;
	v0 =	vshll.u32 v0, $0x10  }
0x51: {  	v0 =	vsel vm1, v2, v0  }
0x52: {  	[tilespmem:s29+$0xF810] =	vst v0  }
0x53: {  	v0 =	vld.idx.msk [tilespmem:v1+s2+$0x0], $0xffff;
	_ =	sdelay $0x1  }
0x54: {  	vm1 =	vgt.s32 v3, $0xC3FF;
	v1 =	vadd.s32 $0xFFFF3C00, v3  }
0x55: {  	v1 =	vsel vm1, v1, v3;
	_ =	sdelay $0x1  }
0x56: {  	v3 =	vld [tilespmem:s29+$0xC440];
	v2 =	vand.u32 $0xFFFF0000, v0;
	v0 =	vshll.u32 v0, $0x10  }
0x57: {  	v0 =	vsel vm0, v2, v0  }
0x58: {  	[tilespmem:s29+$0xF820] =	vst v0  }
0x59: {  	v0 =	vld.idx.msk [tilespmem:v1+s2+$0x0], $0xffff;
	_ =	sdelay $0x1  }
0x5a: {  	vm0 =	vgt.s32 v3, $0xC3FF;
	v1 =	vadd.s32 $0xFFFF3C00, v3  }
0x5b: {  	v1 =	vsel vm0, v1, v3;
	_ =	sdelay $0x1  }
0x5c: {  	v3 =	vld [tilespmem:s29+$0xC450];
	v2 =	vand.u32 $0xFFFF0000, v0;
	v0 =	vshll.u32 v0, $0x10  }
0x5d: {  	v0 =	vsel vm1, v2, v0  }
0x5e: {  	[tilespmem:s29+$0xF830] =	vst v0  }
0x5f: {  	v0 =	vld.idx.msk [tilespmem:v1+s2+$0x0], $0xffff;
	_ =	sdelay $0x1  }
0x60: {  	vm1 =	vgt.s32 v3, $0xC3FF;
	v1 =	vadd.s32 $0xFFFF3C00, v3  }
0x61: {  	v1 =	vsel vm1, v1, v3;
	_ =	sdelay $0x1  }
0x62: {  	v2 =	vand.u32 $0xFFFF0000, v0;
	v0 =	vshll.u32 v0, $0x10  }
0x63: {  	v3 =	vld [tilespmem:s29+$0xC460];
	v0 =	vsel vm0, v2, v0  }
0x64: {  	[tilespmem:s29+$0xF840] =	vst v0  }
0x65: {  	v0 =	vld.idx.msk [tilespmem:v1+s2+$0x0], $0xffff;
	_ =	sdelay $0x2  }
0x66: {  	vm0 =	vgt.s32 v3, $0xC3FF;
	v1 =	vadd.s32 $0xFFFF3C00, v3  }
0x67: {  	v1 =	vsel vm0, v1, v3  }
0x68: {  	v2 =	vand.u32 $0xFFFF0000, v0;
	v0 =	vshll.u32 v0, $0x10  }
0x69: {  	v0 =	vsel vm1, v2, v0;
	v2 =	vld [tilespmem:s29+$0xC470];
	_ =	sdelay $0x1  }
0x6a: {  	[tilespmem:s29+$0xF850] =	vst v0  }
0x6b: {  	v3 =	vld.idx.msk [tilespmem:v1+s2+$0x0], $0xffff;
	_ =	sdelay $0x1  }
0x6c: {  	vm1 =	vgt.s32 v2, $0xC3FF;
	v0 =	vadd.s32 $0xFFFF3C00, v2  }
0x6d: {  	v0 =	vsel vm1, v0, v2;
	_ =	sdelay $0x1  }
0x6e: {  	s31 =	simm.s32 $0x80;
	s30 =	simm.s32 $0x400;
	v1 =	vand.u32 $0xFFFF0000, v3;
	v2 =	vshll.u32 v3, $0x10  }
.LBB2_2:
0x6f: {  	p0 =	sne.s32 s30, $0xCE00;
	v3 =	vld [tilespmem:s31+$0xC400];
	v1 =	vsel vm0, v1, v2  }
0x70: {  	[tilespmem:s29+$0xF860] =	vst v1  }
0x71: {  	v0 =	vld.idx.msk [tilespmem:v0+s2+$0x0], $0xffff;
	_ =	sdelay $0x2  }
0x72: {  	vm0 =	vgt.s32 v3, $0xC3FF;
	v1 =	vadd.s32 $0xFFFF3C00, v3  }
0x73: {  	v1 =	vsel vm0, v1, v3;
	_ =	sdelay $0x1  }
0x74: {  	v2 =	vand.u32 $0xFFFF0000, v0;
	v0 =	vshll.u32 v0, $0x10  }
0x75: {  	v0 =	vsel vm1, v2, v0;
	v3 =	vld [tilespmem:s31+$0xC410]  }
0x76: {  	[tilespmem:s29+$0xF870] =	vst v0;
	s29 =	smov.u32 s31  }
0x77: {  	v0 =	vld.idx.msk [tilespmem:v1+s2+$0x0], $0xffff;
	_ =	sdelay $0x2  }
0x78: {  	vm1 =	vgt.s32 v3, $0xC3FF;
	v1 =	vadd.s32 $0xFFFF3C00, v3  }
0x79: {  	v1 =	vsel vm1, v1, v3;
	_ =	sdelay $0x1  }
0x7a: {  	v2 =	vand.u32 $0xFFFF0000, v0;
	v0 =	vshll.u32 v0, $0x10  }
0x7b: {  	v0 =	vsel vm0, v2, v0;
	v2 =	vld [tilespmem:s29+$0xC420]  }
0x7c: {  	[tilespmem:s29+$0xF800] =	vst v0  }
0x7d: {  	v0 =	vld.idx.msk [tilespmem:v1+s2+$0x0], $0xffff;
	_ =	sdelay $0x2  }
0x7e: {  	vm0 =	vgt.s32 v2, $0xC3FF;
	v1 =	vadd.s32 $0xFFFF3C00, v2  }
0x7f: {  	v1 =	vsel vm0, v1, v2;
	_ =	sdelay $0x1  }
0x80: {  	v2 =	vand.u32 $0xFFFF0000, v0;
	v0 =	vshll.u32 v0, $0x10  }
0x81: {  	v0 =	vsel vm1, v2, v0;
	v2 =	vld [tilespmem:s29+$0xC430]  }
0x82: {  	[tilespmem:s29+$0xF810] =	vst v0  }
0x83: {  	v0 =	vld.idx.msk [tilespmem:v1+s2+$0x0], $0xffff;
	_ =	sdelay $0x2  }
0x84: {  	vm1 =	vgt.s32 v2, $0xC3FF;
	v1 =	vadd.s32 $0xFFFF3C00, v2  }
0x85: {  	v1 =	vsel vm1, v1, v2;
	_ =	sdelay $0x1  }
0x86: {  	v2 =	vand.u32 $0xFFFF0000, v0;
	v0 =	vshll.u32 v0, $0x10  }
0x87: {  	v0 =	vsel vm0, v2, v0;
	v2 =	vld [tilespmem:s29+$0xC440]  }
0x88: {  	[tilespmem:s29+$0xF820] =	vst v0  }
0x89: {  	v0 =	vld.idx.msk [tilespmem:v1+s2+$0x0], $0xffff;
	_ =	sdelay $0x2  }
0x8a: {  	vm0 =	vgt.s32 v2, $0xC3FF;
	v1 =	vadd.s32 $0xFFFF3C00, v2  }
0x8b: {  	v1 =	vsel vm0, v1, v2;
	_ =	sdelay $0x1  }
0x8c: {  	v2 =	vand.u32 $0xFFFF0000, v0;
	v0 =	vshll.u32 v0, $0x10  }
0x8d: {  	v0 =	vsel vm1, v2, v0;
	v2 =	vld [tilespmem:s29+$0xC450]  }
0x8e: {  	[tilespmem:s29+$0xF830] =	vst v0  }
0x8f: {  	v0 =	vld.idx.msk [tilespmem:v1+s2+$0x0], $0xffff;
	_ =	sdelay $0x2  }
0x90: {  	vm1 =	vgt.s32 v2, $0xC3FF;
	v1 =	vadd.s32 $0xFFFF3C00, v2  }
0x91: {  	v1 =	vsel vm1, v1, v2;
	_ =	sdelay $0x1  }
0x92: {  	v2 =	vand.u32 $0xFFFF0000, v0;
	v0 =	vshll.u32 v0, $0x10  }
0x93: {  	v0 =	vsel vm0, v2, v0;
	v2 =	vld [tilespmem:s29+$0xC460]  }
0x94: {  	[tilespmem:s29+$0xF840] =	vst v0  }
0x95: {  	v0 =	vld.idx.msk [tilespmem:v1+s2+$0x0], $0xffff;
	_ =	sdelay $0x2  }
0x96: {  	vm0 =	vgt.s32 v2, $0xC3FF;
	v1 =	vadd.s32 $0xFFFF3C00, v2  }
0x97: {  	v1 =	vsel vm0, v1, v2;
	_ =	sdelay $0x1  }
0x98: {  	v2 =	vand.u32 $0xFFFF0000, v0;
	v0 =	vshll.u32 v0, $0x10  }
0x99: {  	v0 =	vsel vm1, v2, v0;
	v2 =	vld [tilespmem:s29+$0xC470]  }
0x9a: {  	[tilespmem:s29+$0xF850] =	vst v0  }
0x9b: {  	v3 =	vld.idx.msk [tilespmem:v1+s2+$0x0], $0xffff;
	_ =	sdelay $0x1  }
.Ltmp0:
0x9c: {  	(pc) =	sbr.rel @p0 .LBB2_2-.Ltmp0, $3  }
0x9d: {  	vm1 =	vgt.s32 v2, $0xC3FF;
	v0 =	vadd.s32 $0xFFFF3C00, v2  }
0x9e: {  	v0 =	vsel vm1, v0, v2;
	_ =	sdelay $0x1  }
0x9f: {  	s31 =	sshra.s32 s30, $0x2;
	s30 =	sadd.s32 $0x200, s30;
	v1 =	vand.u32 $0xFFFF0000, v3;
	v2 =	vshll.u32 v3, $0x10  }
0xa0: {  	_ = 	snop  }
0xa1: {  	v3 =	vld [tilespmem:s31+$0xC400]  }
0xa2: {  	v1 =	vsel vm0, v1, v2  }
0xa3: {  	[tilespmem:s29+$0xF860] =	vst v1  }
0xa4: {  	v0 =	vld.idx.msk [tilespmem:v0+s2+$0x0], $0xffff;
	_ =	sdelay $0x1  }
0xa5: {  	vm8 =	vgt.s32 v3, $0xC3FF;
	v41 =	vadd.s32 $0xFFFF3C00, v3  }
0xa6: {  	v1 =	vsel vm8, v41, v3;
	_ =	sdelay $0x1  }
0xa7: {  	v43 =	vld [tilespmem:s31+$0xC410];
	v42 =	vand.u32 $0xFFFF0000, v0;
	v0 =	vshll.u32 v0, $0x10  }
0xa8: {  	v0 =	vsel vm1, v42, v0  }
0xa9: {  	[tilespmem:s29+$0xF870] =	vst v0  }
0xaa: {  	v0 =	vld.idx.msk [tilespmem:v1+s2+$0x0], $0xffff;
	_ =	sdelay $0x1  }
0xab: {  	vm9 =	vgt.s32 v43, $0xC3FF;
	v44 =	vadd.s32 $0xFFFF3C00, v43  }
0xac: {  	v1 =	vsel vm9, v44, v43;
	_ =	sdelay $0x1  }
0xad: {  	v46 =	vld [tilespmem:s31+$0xC420];
	v45 =	vand.u32 $0xFFFF0000, v0;
	v0 =	vshll.u32 v0, $0x10  }
0xae: {  	v0 =	vsel vm8, v45, v0  }
0xaf: {  	[tilespmem:s31+$0xF800] =	vst v0  }
0xb0: {  	v0 =	vld.idx.msk [tilespmem:v1+s2+$0x0], $0xffff;
	_ =	sdelay $0x1  }
0xb1: {  	vm10 =	vgt.s32 v46, $0xC3FF;
	v47 =	vadd.s32 $0xFFFF3C00, v46  }
0xb2: {  	v1 =	vsel vm10, v47, v46;
	_ =	sdelay $0x1  }
0xb3: {  	v49 =	vld [tilespmem:s31+$0xC430];
	v48 =	vand.u32 $0xFFFF0000, v0;
	v0 =	vshll.u32 v0, $0x10  }
0xb4: {  	v0 =	vsel vm9, v48, v0  }
0xb5: {  	[tilespmem:s31+$0xF810] =	vst v0  }
0xb6: {  	v0 =	vld.idx.msk [tilespmem:v1+s2+$0x0], $0xffff;
	_ =	sdelay $0x1  }
0xb7: {  	vm11 =	vgt.s32 v49, $0xC3FF;
	v50 =	vadd.s32 $0xFFFF3C00, v49  }
0xb8: {  	v1 =	vsel vm11, v50, v49;
	_ =	sdelay $0x1  }
0xb9: {  	v52 =	vld [tilespmem:s31+$0xC440];
	v51 =	vand.u32 $0xFFFF0000, v0;
	v0 =	vshll.u32 v0, $0x10  }
0xba: {  	v0 =	vsel vm10, v51, v0  }
0xbb: {  	[tilespmem:s31+$0xF820] =	vst v0  }
0xbc: {  	v0 =	vld.idx.msk [tilespmem:v1+s2+$0x0], $0xffff;
	_ =	sdelay $0x1  }
0xbd: {  	vm12 =	vgt.s32 v52, $0xC3FF;
	v53 =	vadd.s32 $0xFFFF3C00, v52  }
0xbe: {  	v1 =	vsel vm12, v53, v52;
	_ =	sdelay $0x1  }
0xbf: {  	v55 =	vld [tilespmem:s31+$0xC450];
	v54 =	vand.u32 $0xFFFF0000, v0;
	v0 =	vshll.u32 v0, $0x10  }
0xc0: {  	v0 =	vsel vm11, v54, v0  }
0xc1: {  	[tilespmem:s31+$0xF830] =	vst v0  }
0xc2: {  	v0 =	vld.idx.msk [tilespmem:v1+s2+$0x0], $0xffff;
	_ =	sdelay $0x1  }
0xc3: {  	vm13 =	vgt.s32 v55, $0xC3FF;
	v56 =	vadd.s32 $0xFFFF3C00, v55  }
0xc4: {  	v1 =	vsel vm13, v56, v55;
	_ =	sdelay $0x1  }
0xc5: {  	v58 =	vld [tilespmem:s31+$0xC460];
	v57 =	vand.u32 $0xFFFF0000, v0;
	v0 =	vshll.u32 v0, $0x10  }
0xc6: {  	v0 =	vsel vm12, v57, v0  }
0xc7: {  	[tilespmem:s31+$0xF840] =	vst v0  }
0xc8: {  	v0 =	vld.idx.msk [tilespmem:v1+s2+$0x0], $0xffff;
	_ =	sdelay $0x1  }
0xc9: {  	vm14 =	vgt.s32 v58, $0xC3FF;
	v59 =	vadd.s32 $0xFFFF3C00, v58  }
0xca: {  	v1 =	vsel vm14, v59, v58;
	_ =	sdelay $0x1  }
0xcb: {  	v61 =	vld [tilespmem:s31+$0xC470];
	v60 =	vand.u32 $0xFFFF0000, v0;
	v0 =	vshll.u32 v0, $0x10  }
0xcc: {  	v0 =	vsel vm13, v60, v0  }
0xcd: {  	[tilespmem:s31+$0xF850] =	vst v0  }
0xce: {  	v0 =	vld.idx.msk [tilespmem:v1+s2+$0x0], $0xffff;
	_ =	sdelay $0x1  }
0xcf: {  	vm15 =	vgt.s32 v61, $0xC3FF;
	v62 =	vadd.s32 $0xFFFF3C00, v61  }
0xd0: {  	v1 =	vsel vm15, v62, v61;
	_ =	sdelay $0x1  }
0xd1: {  	v63 =	vand.u32 $0xFFFF0000, v0;
	v0 =	vshll.u32 v0, $0x10  }
0xd2: {  	v0 =	vsel vm14, v63, v0  }
0xd3: {  	[tilespmem:s31+$0xF860] =	vst v0  }
0xd4: {  	v0 =	vld.idx.msk [tilespmem:v1+s2+$0x0], $0xffff;
	_ =	sdelay $0x4  }
0xd5: {  	s28 =	sadd.s32 $0x1, s28;
	v1 =	vand.u32 $0xFFFF0000, v0;
	v0 =	vshll.u32 v0, $0x10  }
0xd6: {  	p0 =	sne.s32 s28, s21;
	v0 =	vsel vm15, v1, v0  }
.Ltmp1:
0xd7: {  	[tilespmem:s31+$0xF870] =	vst v0;
	(pc) =	sbr.rel @p0 .LBB2_1-.Ltmp1, $4  }
0xd8: {  	[hbm4b:s20+s2] =	stream.linear.scatter [tilespmem:s25], [sflag:$0x3], $0x3400, $0x38;
	[tilespmem:$0x12C00] =	vst v63  }
0xd9: {  	_ =	swait.ge [sflag:s26], $0x3400  }
0xda: {  	[sflag:s26] =	ssyncset.done $0x0  }
0xdb: {  	[sflag:s26] =	ssyncadd.s32 $0xFFFFCC00  }
0xdc: {  	_ =	sfence.sel $0x180000  }
0xdd: {  	[bflag:$0x0] =	sbarrier.arrive $0xFFFF  }
0xde: {  	p0 =	sne.s32 s0, $0x0;
	_ =	strace $0x90000047  }
0xdf: {  	s0 =	sadd.s32 @!p0 $0x100000, s1;
	[bflag:$0x2] =	sbarrier.arrive $0xFFFF  }
0xe0: {  	[sflag:s0] =	ssyncadd.tile.s32 @!p0 $0x1;
	_ =	shalt  }
.Lfunc_end2:
_tile_overlayer_lowered:
.L_overlay_start_2:
0xe1: {  	(tag) =	ssettag $0x2  }
0xe2: {  	s0 =	rddreg [dreg:$0x0];
	s2 =	stileid.u32  }
0xe3: {  	s1 =	rddreg [dreg:$0x1];
	p0 =	sne.s32 s2, $0x0  }
0xe4: {  	s3 =	rddreg [dreg:$0x2];
	[bflag:$0x3] =	sbarrier.arrive $0xFFFF;
	s2 =	simm.s32 @!p0 $0x1C03  }
0xe5: {  	[timem:s3], [sflag:s2] =	dma.local @!p0 [hbm:s0], s1  }
0xe6: {  	s0 =	simm.s32 @!p0 $0x3  }
0xe7: {  	_ =	swait.ge @!p0 [sflag:s0], s1  }
0xe8: {  	s1 =	ssub.s32 @!p0 $0x0, s1;
	[sflag:s0] =	ssyncset.done @!p0 $0x0  }
0xe9: {  	[sflag:s0] =	ssyncadd.s32 @!p0 s1  }
0xea: {  	[bflag:$0x3] =	sbarrier.arrive $0xFFFF  }
0xeb: {  	_ =	shalt  }

</sc_bundles>
